<compile_context>
chip_gen: v7x
topology: tpu7x:2x2x1
jax: 0.10.2.dev20260603
libtpu: 0.0.44.dev20260713+nightly
codegen_flags: <defaults>
</compile_context>

<pallas_src>
import functools

import jax
import jax.numpy as jnp
from jax import lax
from jax.experimental import pallas as pl
from jax.experimental.pallas import tpu as pltpu
from jax.experimental.pallas import tpu_sc as plsc

_N = 10000
_C = 256
_K = 16
_T = 200
_NT = _N // _T
_CH = 200
_NCHUNK = (_N * _K) // _CH
_NW = 32
_ITERS = (_NCHUNK + _NW - 1) // _NW
_RSQRT_C = 1.0 / (_C ** 0.5)
_GATE_PAD = -1e30


def _ln(x, g, b, eps=1e-5):
    mu = jnp.mean(x, axis=-1, keepdims=True)
    var = jnp.mean((x - mu) ** 2, axis=-1, keepdims=True)
    return (x - mu) * lax.rsqrt(var + eps) * g + b


def _proj_body(x0, x1, x2,
               wq0, bq0, wk0, wq1, bq1, wk1, wq2, bq2, wk2,
               qp0, qp1, qp2, qt0, qt1, qt2):
    for x, wq, bq, wk, qp, qt in (
        (x0, wq0, bq0, wk0, qp0, qt0),
        (x1, wq1, bq1, wk1, qp1, qt1),
        (x2, wq2, bq2, wk2, qp2, qt2),
    ):
        q = jnp.dot(x[...].astype(jnp.bfloat16), wq[...],
                    preferred_element_type=jnp.float32) + bq[...]
        qp[...] = q.astype(jnp.bfloat16)
        qt[...] = (lax.dot_general(
            q.astype(jnp.bfloat16), wk[...], (((1,), (1,)), ((), ())),
            preferred_element_type=jnp.float32) * _RSQRT_C).astype(jnp.bfloat16)


def _tc_proj(x0, x1, x2, blocks):
    tp = 1000
    row = pl.BlockSpec((tp, _C), lambda i: (i, 0))
    wspec = pl.BlockSpec((_C, _C), lambda i: (0, 0))
    bspec = pl.BlockSpec((1, _C), lambda i: (0, 0))
    out = jax.ShapeDtypeStruct((_N, _C), jnp.bfloat16)
    args = [x0, x1, x2]
    in_specs = [row, row, row]
    for blk in blocks:
        args += [blk['Wq'].astype(jnp.bfloat16), blk['bq'].reshape(1, _C),
                 blk['Wk'].astype(jnp.bfloat16)]
        in_specs += [wspec, bspec, wspec]
    return pl.pallas_call(
        _proj_body,
        grid=(_N // tp,),
        in_specs=in_specs,
        out_specs=[row] * 6,
        out_shape=[out] * 6,
    )(*args)


def _pack_body(x3, out):
    v = lax.bitcast_convert_type(x3[...], jnp.int32)
    lo = v[:, :_C // 2]
    hi = v[:, _C // 2:]

    def rnd(b):
        return b + 0x7FFF + jnp.bitwise_and(lax.shift_right_logical(b, 16), 1)

    out[...] = jnp.bitwise_or(
        jnp.bitwise_and(rnd(hi), jnp.int32(-65536)),
        lax.shift_right_logical(rnd(lo), 16))


def _tc_pack(x3):
    tp = 1000
    return pl.pallas_call(
        _pack_body,
        grid=(_N // tp,),
        in_specs=[pl.BlockSpec((tp, _C), lambda i: (i, 0))],
        out_specs=pl.BlockSpec((tp, _C // 2), lambda i: (i, 0)),
        out_shape=jax.ShapeDtypeStruct((_N, _C // 2), jnp.int32),
    )(x3)


def _sc_gather_body(knn_hbm, x_hbm, g_hbm, idx_a, idx_b, rows_a, rows_b,
                    sem_ga, sem_gb, sem_wa, sem_wb):
    wid = lax.axis_index("s") * 2 + lax.axis_index("c")

    def step(t, carry):
        ch0 = wid + _NW * (2 * t)
        ch1 = wid + _NW * (2 * t + 1)
        p0 = ch0 < _NCHUNK
        p1 = ch1 < _NCHUNK

        @pl.when(p0)
        def _():
            pltpu.sync_copy(knn_hbm.at[pl.ds(ch0 * _CH, _CH)], idx_a)
            ga = pltpu.async_copy(x_hbm.at[idx_a], rows_a, sem_ga)

            @pl.when(p1)
            def _():
                pltpu.sync_copy(knn_hbm.at[pl.ds(ch1 * _CH, _CH)], idx_b)
                gb = pltpu.async_copy(x_hbm.at[idx_b], rows_b, sem_gb)
                ga.wait()
                wa = pltpu.async_copy(rows_a, g_hbm.at[pl.ds(ch0 * _CH, _CH)],
                                      sem_wa)
                gb.wait()
                wb = pltpu.async_copy(rows_b, g_hbm.at[pl.ds(ch1 * _CH, _CH)],
                                      sem_wb)
                wa.wait()
                wb.wait()

            @pl.when(jnp.logical_not(p1))
            def _():
                ga.wait()
                pltpu.sync_copy(rows_a, g_hbm.at[pl.ds(ch0 * _CH, _CH)])

        return carry

    lax.fori_loop(0, (_ITERS + 1) // 2, step, 0)


def _sc_gather(knn_flat, x):
    mesh = plsc.VectorSubcoreMesh(core_axis_name="c", subcore_axis_name="s")
    f = functools.partial(
        pl.kernel,
        out_type=jax.ShapeDtypeStruct((_N * _K, _C // 2), jnp.int32),
        mesh=mesh,
        scratch_types=[
            pltpu.VMEM((_CH,), jnp.int32),
            pltpu.VMEM((_CH,), jnp.int32),
            pltpu.VMEM((_CH, _C // 2), jnp.int32),
            pltpu.VMEM((_CH, _C // 2), jnp.int32),
            pltpu.SemaphoreType.DMA,
            pltpu.SemaphoreType.DMA,
            pltpu.SemaphoreType.DMA,
            pltpu.SemaphoreType.DMA,
        ],
    )(_sc_gather_body)
    return f(knn_flat, x)


def _tree_sum(xs):
    while len(xs) > 1:
        xs = [xs[i] + xs[i + 1] for i in range(0, len(xs) - 1, 2)] \
            + ([xs[-1]] if len(xs) % 2 else [])
    return xs[0]


def _attn_body(g, qt0, qt1, qt2, qp0, qp1, qp2, x3, bones, bexp,
               wv0, bv0, lg0, lb0, wv1, bv1, lg1, lb1, wv2, bv2, lg2, lb2,
               w1, b1, w2p, b2p, lgf, lbf, out):
    x = x3[...]
    bo = bones[...]
    be = bexp[...]
    qbs = [qt0[...], qt1[...], qt2[...]]
    qhs = [(q[:, :_C // 2], q[:, _C // 2:]) for q in qbs]
    hc = _C // 2
    himask = jnp.int32(-65536)

    gks = []
    rs = [[], [], []]
    for k in range(_K):
        w = g[k]
        ge = lax.bitcast_convert_type(lax.shift_left(w, 16), jnp.float32)
        go = lax.bitcast_convert_type(jnp.bitwise_and(w, himask), jnp.float32)
        gks.append((ge, go))
        geb = ge.astype(jnp.bfloat16)
        gob = go.astype(jnp.bfloat16)
        for i in range(3):
            qe, qo = qhs[i]
            rs[i].append(geb * qe + gob * qo)
    ews, invs = [], []
    for i in range(3):
        r = jnp.concatenate(rs[i], axis=-1)
        s = jnp.dot(r, bo, preferred_element_type=jnp.float32)
        m = jnp.max(s, axis=-1, keepdims=True)
        e = jnp.exp(s - m)
        invs.append(1.0 / _tree_sum([e[:, k:k + 1] for k in range(_K)]))
        ews.append(jnp.dot(e.astype(jnp.bfloat16), be,
                           preferred_element_type=jnp.float32))
    ulo = [[], [], []]
    uhi = [[], [], []]
    for k in range(_K):
        ge, go = gks[k]
        for i in range(3):
            ewk = ews[i][:, k * hc:(k + 1) * hc]
            ulo[i].append(ewk * ge)
            uhi[i].append(ewk * go)
    outs = []
    for i, (qp, wv, bv, lg, lb) in enumerate((
        (qp0, wv0, bv0, lg0, lb0),
        (qp1, wv1, bv1, lg1, lb1),
        (qp2, wv2, bv2, lg2, lb2),
    )):
        sv = jnp.concatenate([_tree_sum(ulo[i]), _tree_sum(uhi[i])],
                             axis=-1) * invs[i]
        o = jnp.dot(sv.astype(jnp.bfloat16), wv[...],
                    preferred_element_type=jnp.float32) + bv[...]
        outs.append(_ln(o + qp[...], lg[...], lb[...]))

    h = jnp.maximum(jnp.dot(x.astype(jnp.bfloat16), w1[...],
                            preferred_element_type=jnp.float32) + b1[...], 0.0)
    logits = jnp.dot(h.astype(jnp.bfloat16), w2p[...],
                     preferred_element_type=jnp.float32) + b2p[...]
    lm = jnp.max(logits, axis=-1, keepdims=True)
    le = jnp.exp(logits - lm)
    linv = 1.0 / jnp.sum(le, axis=-1, keepdims=True)
    mix = (le[:, 0:1] * outs[0] + le[:, 1:2] * outs[1]
           + le[:, 2:3] * outs[2]) * linv
    out[...] = _ln(mix + x, lgf[...], lbf[...])


def _tc_attn(g, qts, qps, x3, params):
    row = pl.BlockSpec((_T, _C), lambda i: (i, 0))
    g3 = pl.BlockSpec((_K, _T, _C // 2), lambda i: (0, i, 0))
    bones_spec = pl.BlockSpec((_K * _C // 2, _K), lambda i: (0, 0))
    bexp_spec = pl.BlockSpec((_K, _K * _C // 2), lambda i: (0, 0))
    wspec = pl.BlockSpec((_C, _C), lambda i: (0, 0))
    bspec = pl.BlockSpec((1, _C), lambda i: (0, 0))
    hspec = pl.BlockSpec((_C, _C // 2), lambda i: (0, 0))
    h1spec = pl.BlockSpec((1, _C // 2), lambda i: (0, 0))
    gspec = pl.BlockSpec((_C // 2, _C // 2), lambda i: (0, 0))
    g1spec = pl.BlockSpec((1, _C // 2), lambda i: (0, 0))

    gate = params['gate']
    w2p = jnp.zeros((_C // 2, _C // 2), jnp.float32).at[:, :3].set(gate['W2'])
    b2p = jnp.full((_C // 2,), _GATE_PAD, jnp.float32).at[:3].set(gate['b2'])
    bones = jnp.kron(jnp.eye(_K, dtype=jnp.bfloat16),
                     jnp.ones((_C // 2, 1), jnp.bfloat16))
    bexp = bones.T

    args = [g, qts[0], qts[1], qts[2], qps[0], qps[1], qps[2], x3, bones,
            bexp]
    in_specs = [g3, row, row, row, row, row, row, row, bones_spec, bexp_spec]
    for blk in params['blocks']:
        args += [blk['Wv'].astype(jnp.bfloat16), blk['bv'].reshape(1, _C),
                 blk['ln_g'].reshape(1, _C), blk['ln_b'].reshape(1, _C)]
        in_specs += [wspec, bspec, bspec, bspec]
    args += [gate['W1'].astype(jnp.bfloat16),
             gate['b1'].reshape(1, _C // 2), w2p.astype(jnp.bfloat16),
             b2p.reshape(1, _C // 2),
             params['ln_g'].reshape(1, _C), params['ln_b'].reshape(1, _C)]
    in_specs += [hspec, h1spec, gspec, g1spec, bspec, bspec]

    return pl.pallas_call(
        _attn_body,
        grid=(_NT,),
        in_specs=in_specs,
        out_specs=row,
        out_shape=jax.ShapeDtypeStruct((_N, _C), jnp.float32),
    )(*args)


def kernel(x_l0, x_l1, x_l2, x_l3, params, knn_idx):
    x0 = x_l0.reshape(_N, _C)
    x1 = x_l1.reshape(_N, _C)
    x2 = x_l2.reshape(_N, _C)
    x3 = x_l3.reshape(_N, _C)
    knn_flat = knn_idx.astype(jnp.int32).T.reshape(-1)

    xb32 = _tc_pack(x3)
    qp0, qp1, qp2, qt0, qt1, qt2 = _tc_proj(x0, x1, x2, params['blocks'])
    g = _sc_gather(knn_flat, xb32).reshape(_K, _N, _C // 2)
    out = _tc_attn(g, (qt0, qt1, qt2), (qp0, qp1, qp2), x3, params)
    return out.reshape(1, _N, _C)

# --- scband reference (transcript-rebuilt; emitter-appended) ---
"""Pipeline reference for scband-multi-scale-knngraph-attention-9079560864225 (READ-ONLY COPY).

The authoritative reference and input builder live on the scoring server;
editing this copy changes nothing except your own understanding.
"""

import jax, jax.numpy as jnp
import numpy as np

BS = 1
N = 10000
C = 256
K = 16


def layer_norm(x, g, b, eps=1e-5):
    mu = jnp.mean(x, axis=-1, keepdims=True)
    var = jnp.mean((x - mu) ** 2, axis=-1, keepdims=True)
    return (x - mu) / jnp.sqrt(var + eps) * g + b


def setup_inputs(seed: int = 0) -> dict:
    key = jax.random.key(seed)
    ks = jax.random.split(key, 40)
    x_l0 = jax.random.normal(ks[0], (BS, N, C), dtype=jnp.float32)
    x_l1 = jax.random.normal(ks[1], (BS, N, C), dtype=jnp.float32)
    x_l2 = jax.random.normal(ks[2], (BS, N, C), dtype=jnp.float32)
    x_l3 = jax.random.normal(ks[3], (BS, N, C), dtype=jnp.float32)
    knn_idx = jax.random.randint(ks[4], (N, K), 0, N, dtype=jnp.int64 if jax.config.jax_enable_x64 else jnp.int32)

    blocks = []
    for i in range(3):
        kb = jax.random.split(ks[5 + i], 6)
        blocks.append({
            'Wq': jax.random.normal(kb[0], (C, C), dtype=jnp.float32) * 0.05,
            'bq': jnp.zeros((C,), dtype=jnp.float32),
            'Wk': jax.random.normal(kb[1], (C, C), dtype=jnp.float32) * 0.05,
            'bk': jnp.zeros((C,), dtype=jnp.float32),
            'Wv': jax.random.normal(kb[2], (C, C), dtype=jnp.float32) * 0.05,
            'bv': jnp.zeros((C,), dtype=jnp.float32),
            'ln_g': jnp.ones((C,), dtype=jnp.float32),
            'ln_b': jnp.zeros((C,), dtype=jnp.float32),
        })
    params = {
        'blocks': blocks,
        'gate': {
            'W1': jax.random.normal(ks[10], (C, C // 2), dtype=jnp.float32) * 0.05,
            'b1': jnp.zeros((C // 2,), dtype=jnp.float32),
            'W2': jax.random.normal(ks[11], (C // 2, 3), dtype=jnp.float32) * 0.05,
            'b2': jnp.zeros((3,), dtype=jnp.float32),
        },
        'ln_g': jnp.ones((C,), dtype=jnp.float32),
        'ln_b': jnp.zeros((C,), dtype=jnp.float32),
    }
    return {'x_l0': x_l0, 'x_l1': x_l1, 'x_l2': x_l2, 'x_l3': x_l3, 'params': params, 'knn_idx': knn_idx}


def _attn_block(p, Q, Kin, Vin, knn_idx):
    Qp = Q @ p['Wq'] + p['bq']
    Kp = Kin @ p['Wk'] + p['bk']
    Vp = Vin @ p['Wv'] + p['bv']
    # gather kNN neighbors: (bs, N, k, C)
    K_knn = Kp[:, knn_idx]
    V_knn = Vp[:, knn_idx]
    attn = jnp.sum(Qp[:, :, None, :] * K_knn, axis=-1) / (C ** 0.5)
    attn = jax.nn.softmax(attn, axis=-1)
    out = jnp.sum(attn[..., None] * V_knn, axis=2)
    return layer_norm(out + Qp, p['ln_g'], p['ln_b'])


def reference(x_l0, x_l1, x_l2, x_l3, params, knn_idx):
    O0 = _attn_block(params['blocks'][0], x_l0, x_l3, x_l3, knn_idx)
    O1 = _attn_block(params['blocks'][1], x_l1, x_l3, x_l3, knn_idx)
    O2 = _attn_block(params['blocks'][2], x_l2, x_l3, x_l3, knn_idx)
    Os = [O0, O1, O2]
    g = params['gate']
    h = jax.nn.relu(x_l3 @ g['W1'] + g['b1'])
    alpha = jax.nn.softmax(h @ g['W2'] + g['b2'], axis=-1)
    out = sum(alpha[..., i:i + 1] * Os[i] for i in range(3))
    return layer_norm(out + x_l3, params['ln_g'], params['ln_b'])

if __name__ == "__main__":
    import jax
    _d = setup_inputs()
    print(jax.jit(kernel)(*tuple(_d.values())))

</pallas_src>

<mosaic_0001>
#map = affine_map<(d0, d1) -> (0)>
#map1 = affine_map<(d0, d1) -> (0, 0)>
module attributes {stable_mosaic.version = 14 : i64} {
  func.func @_sc_gather_body(%arg0: i32, %arg1: i32, %arg2: memref<160000xi32, #tpu.memory_space<hbm>>, %arg3: memref<10000x128xi32, #tpu.memory_space<hbm>>, %arg4: memref<160000x128xi32, #tpu.memory_space<hbm>>, %arg5: memref<200xi32, #tpu.memory_space<vmem>>, %arg6: memref<200xi32, #tpu.memory_space<vmem>>, %arg7: memref<200x128xi32, #tpu.memory_space<vmem>>, %arg8: memref<200x128xi32, #tpu.memory_space<vmem>>, %arg9: memref<!tpu.dma_semaphore, #tpu.memory_space<semaphore_mem>>, %arg10: memref<!tpu.dma_semaphore, #tpu.memory_space<semaphore_mem>>, %arg11: memref<!tpu.dma_semaphore, #tpu.memory_space<semaphore_mem>>, %arg12: memref<!tpu.dma_semaphore, #tpu.memory_space<semaphore_mem>>) attributes {dimension_semantics = [#tpu.dimension_semantics<core_parallel>, #tpu.dimension_semantics<subcore_parallel>], iteration_bounds = array<i64: 2, 16>, scalar_prefetch = 0 : i64, scratch_operands = 8 : i64, tpu.core_type = #tpu.core_type<sc_vector_subcore>, window_params = [{transform_indices = #map}, {transform_indices = #map1}, {transform_indices = #map1}]} {
    %mul3A = arith.constant 2 : i32
    %mul3A_0 = arith.muli %arg1, %mul3A : i32
    %add3A = arith.addi %mul3A_0, %arg0 : i32
    %scan3A = arith.constant 0 : i32
    %scan3A_1 = arith.constant 0 : i32
    %scan3A_2 = arith.constant 13 : i32
    %scan3A_3 = arith.addi %scan3A_1, %scan3A_2 : i32
    %scan3A_4 = arith.constant 1 : i32
    scf.for %scan3A_6 = %scan3A_1 to %scan3A_3 step %scan3A_4  : i32 {
      %mul3A_7 = arith.constant 2 : i32
      %mul3A_8 = arith.muli %mul3A_7, %scan3A_6 : i32
      %mul3A_9 = arith.constant 32 : i32
      %mul3A_10 = arith.muli %mul3A_9, %mul3A_8 : i32
      %add3A_11 = arith.addi %add3A, %mul3A_10 : i32
      %mul3A_12 = arith.constant 2 : i32
      %mul3A_13 = arith.muli %mul3A_12, %scan3A_6 : i32
      %add3A_14 = arith.constant 1 : i32
      %add3A_15 = arith.addi %mul3A_13, %add3A_14 : i32
      %mul3A_16 = arith.constant 32 : i32
      %mul3A_17 = arith.muli %mul3A_16, %add3A_15 : i32
      %add3A_18 = arith.addi %add3A, %mul3A_17 : i32
      %lt3A = arith.constant 800 : i32
      %lt3A_19 = arith.cmpi slt, %add3A_11, %lt3A : i32
      %lt3A_20 = arith.constant 800 : i32
      %lt3A_21 = arith.cmpi slt, %add3A_18, %lt3A_20 : i32
      %convert_element_type3A = arith.extui %lt3A_19 : i1 to i32
      %cond3A = arith.constant 0 : i32
      %cond3A_22 = arith.cmpi ne, %convert_element_type3A, %cond3A : i32
      scf.if %cond3A_22 {
        %mul3A_23 = arith.constant 200 : i32
        %mul3A_24 = arith.muli %add3A_11, %mul3A_23 : i32
        "tpu.region"() ({
          %run_scoped3A = tpu.sem_alloc : memref<!tpu.dma_semaphore, #tpu.memory_space<semaphore_mem>>
          %dma_start3A_34 = tpu.memref_slice %arg2[%mul3A_24] : memref<160000xi32, #tpu.memory_space<hbm>> -> memref<200xi32, #tpu.memory_space<hbm>>
          %dma_start3A_35 = tpu.memref_slice %arg2[%mul3A_24] : memref<160000xi32, #tpu.memory_space<hbm>> -> memref<200xi32, #tpu.memory_space<hbm>>
          tpu.enqueue_dma source(%dma_start3A_35 : memref<200xi32, #tpu.memory_space<hbm>>) target(%arg5 : memref<200xi32, #tpu.memory_space<vmem>>) target_semaphore(%run_scoped3A : memref<!tpu.dma_semaphore, #tpu.memory_space<semaphore_mem>>)
          %dma_wait3A = tpu.memref_slice %arg2[%mul3A_24] : memref<160000xi32, #tpu.memory_space<hbm>> -> memref<200xi32, #tpu.memory_space<hbm>>
          %dma_wait3A_36 = tpu.memref_slice %arg2[%mul3A_24] : memref<160000xi32, #tpu.memory_space<hbm>> -> memref<200xi32, #tpu.memory_space<hbm>>
          tpu.wait_dma2 semaphore(%run_scoped3A : memref<!tpu.dma_semaphore, #tpu.memory_space<semaphore_mem>>) src(%dma_wait3A_36 : memref<200xi32, #tpu.memory_space<hbm>>) dst(%arg5 : memref<200xi32, #tpu.memory_space<vmem>>)
          tpu.yield
        }) : () -> ()
        %dma_start3A = arith.constant 0 : i32
        %dma_start3A_25 = arith.constant 0 : i32
        %dma_start3A_26 = tpu.memref_slice %arg3[%dma_start3A, %dma_start3A_25] : memref<10000x128xi32, #tpu.memory_space<hbm>> -> memref<10000x128xi32, #tpu.memory_space<hbm>>
        tpu.enqueue_indirect_dma source(%dma_start3A_26 : memref<10000x128xi32, #tpu.memory_space<hbm>>) target(%arg7 : memref<200x128xi32, #tpu.memory_space<vmem>>) offsets(%arg5 : memref<200xi32, #tpu.memory_space<vmem>>) semaphore(%arg9 : memref<!tpu.dma_semaphore, #tpu.memory_space<semaphore_mem>>)
        %convert_element_type3A_27 = arith.extui %lt3A_21 : i1 to i32
        %cond3A_28 = arith.constant 0 : i32
        %cond3A_29 = arith.cmpi ne, %convert_element_type3A_27, %cond3A_28 : i32
        scf.if %cond3A_29 {
          %mul3A_34 = arith.constant 200 : i32
          %mul3A_35 = arith.muli %add3A_18, %mul3A_34 : i32
          "tpu.region"() ({
            %run_scoped3A = tpu.sem_alloc : memref<!tpu.dma_semaphore, #tpu.memory_space<semaphore_mem>>
            %dma_start3A_64 = tpu.memref_slice %arg2[%mul3A_35] : memref<160000xi32, #tpu.memory_space<hbm>> -> memref<200xi32, #tpu.memory_space<hbm>>
            %dma_start3A_65 = tpu.memref_slice %arg2[%mul3A_35] : memref<160000xi32, #tpu.memory_space<hbm>> -> memref<200xi32, #tpu.memory_space<hbm>>
            tpu.enqueue_dma source(%dma_start3A_65 : memref<200xi32, #tpu.memory_space<hbm>>) target(%arg6 : memref<200xi32, #tpu.memory_space<vmem>>) target_semaphore(%run_scoped3A : memref<!tpu.dma_semaphore, #tpu.memory_space<semaphore_mem>>)
            %dma_wait3A_66 = tpu.memref_slice %arg2[%mul3A_35] : memref<160000xi32, #tpu.memory_space<hbm>> -> memref<200xi32, #tpu.memory_space<hbm>>
            %dma_wait3A_67 = tpu.memref_slice %arg2[%mul3A_35] : memref<160000xi32, #tpu.memory_space<hbm>> -> memref<200xi32, #tpu.memory_space<hbm>>
            tpu.wait_dma2 semaphore(%run_scoped3A : memref<!tpu.dma_semaphore, #tpu.memory_space<semaphore_mem>>) src(%dma_wait3A_67 : memref<200xi32, #tpu.memory_space<hbm>>) dst(%arg6 : memref<200xi32, #tpu.memory_space<vmem>>)
            tpu.yield
          }) : () -> ()
          %dma_start3A_36 = arith.constant 0 : i32
          %dma_start3A_37 = arith.constant 0 : i32
          %dma_start3A_38 = tpu.memref_slice %arg3[%dma_start3A_36, %dma_start3A_37] : memref<10000x128xi32, #tpu.memory_space<hbm>> -> memref<10000x128xi32, #tpu.memory_space<hbm>>
          tpu.enqueue_indirect_dma source(%dma_start3A_38 : memref<10000x128xi32, #tpu.memory_space<hbm>>) target(%arg8 : memref<200x128xi32, #tpu.memory_space<vmem>>) offsets(%arg6 : memref<200xi32, #tpu.memory_space<vmem>>) semaphore(%arg10 : memref<!tpu.dma_semaphore, #tpu.memory_space<semaphore_mem>>)
          %dma_wait3A = arith.constant 0 : i32
          %dma_wait3A_39 = arith.constant 0 : i32
          %dma_wait3A_40 = tpu.memref_slice %arg3[%dma_wait3A, %dma_wait3A_39] : memref<10000x128xi32, #tpu.memory_space<hbm>> -> memref<10000x128xi32, #tpu.memory_space<hbm>>
          tpu.wait_indirect_dma semaphore(%arg9 : memref<!tpu.dma_semaphore, #tpu.memory_space<semaphore_mem>>) src(%dma_wait3A_40 : memref<10000x128xi32, #tpu.memory_space<hbm>>) dst(%arg7 : memref<200x128xi32, #tpu.memory_space<vmem>>)
          %mul3A_41 = arith.constant 200 : i32
          %mul3A_42 = arith.muli %add3A_11, %mul3A_41 : i32
          %dma_start3A_43 = arith.constant 0 : i32
          %dma_start3A_44 = tpu.memref_slice %arg4[%mul3A_42, %dma_start3A_43] : memref<160000x128xi32, #tpu.memory_space<hbm>> -> memref<200x128xi32, #tpu.memory_space<hbm>>
          %dma_start3A_45 = arith.constant 0 : i32
          %dma_start3A_46 = tpu.memref_slice %arg4[%mul3A_42, %dma_start3A_45] : memref<160000x128xi32, #tpu.memory_space<hbm>> -> memref<200x128xi32, #tpu.memory_space<hbm>>
          tpu.enqueue_dma source(%arg7 : memref<200x128xi32, #tpu.memory_space<vmem>>) target(%dma_start3A_46 : memref<200x128xi32, #tpu.memory_space<hbm>>) target_semaphore(%arg11 : memref<!tpu.dma_semaphore, #tpu.memory_space<semaphore_mem>>)
          %dma_wait3A_47 = arith.constant 0 : i32
          %dma_wait3A_48 = arith.constant 0 : i32
          %dma_wait3A_49 = tpu.memref_slice %arg3[%dma_wait3A_47, %dma_wait3A_48] : memref<10000x128xi32, #tpu.memory_space<hbm>> -> memref<10000x128xi32, #tpu.memory_space<hbm>>
          tpu.wait_indirect_dma semaphore(%arg10 : memref<!tpu.dma_semaphore, #tpu.memory_space<semaphore_mem>>) src(%dma_wait3A_49 : memref<10000x128xi32, #tpu.memory_space<hbm>>) dst(%arg8 : memref<200x128xi32, #tpu.memory_space<vmem>>)
          %mul3A_50 = arith.constant 200 : i32
          %mul3A_51 = arith.muli %add3A_18, %mul3A_50 : i32
          %dma_start3A_52 = arith.constant 0 : i32
          %dma_start3A_53 = tpu.memref_slice %arg4[%mul3A_51, %dma_start3A_52] : memref<160000x128xi32, #tpu.memory_space<hbm>> -> memref<200x128xi32, #tpu.memory_space<hbm>>
          %dma_start3A_54 = arith.constant 0 : i32
          %dma_start3A_55 = tpu.memref_slice %arg4[%mul3A_51, %dma_start3A_54] : memref<160000x128xi32, #tpu.memory_space<hbm>> -> memref<200x128xi32, #tpu.memory_space<hbm>>
          tpu.enqueue_dma source(%arg8 : memref<200x128xi32, #tpu.memory_space<vmem>>) target(%dma_start3A_55 : memref<200x128xi32, #tpu.memory_space<hbm>>) target_semaphore(%arg12 : memref<!tpu.dma_semaphore, #tpu.memory_space<semaphore_mem>>)
          %dma_wait3A_56 = arith.constant 0 : i32
          %dma_wait3A_57 = tpu.memref_slice %arg4[%mul3A_42, %dma_wait3A_56] : memref<160000x128xi32, #tpu.memory_space<hbm>> -> memref<200x128xi32, #tpu.memory_space<hbm>>
          %dma_wait3A_58 = arith.constant 0 : i32
          %dma_wait3A_59 = tpu.memref_slice %arg4[%mul3A_42, %dma_wait3A_58] : memref<160000x128xi32, #tpu.memory_space<hbm>> -> memref<200x128xi32, #tpu.memory_space<hbm>>
          tpu.wait_dma2 semaphore(%arg11 : memref<!tpu.dma_semaphore, #tpu.memory_space<semaphore_mem>>) src(%arg7 : memref<200x128xi32, #tpu.memory_space<vmem>>) dst(%dma_wait3A_59 : memref<200x128xi32, #tpu.memory_space<hbm>>)
          %dma_wait3A_60 = arith.constant 0 : i32
          %dma_wait3A_61 = tpu.memref_slice %arg4[%mul3A_51, %dma_wait3A_60] : memref<160000x128xi32, #tpu.memory_space<hbm>> -> memref<200x128xi32, #tpu.memory_space<hbm>>
          %dma_wait3A_62 = arith.constant 0 : i32
          %dma_wait3A_63 = tpu.memref_slice %arg4[%mul3A_51, %dma_wait3A_62] : memref<160000x128xi32, #tpu.memory_space<hbm>> -> memref<200x128xi32, #tpu.memory_space<hbm>>
          tpu.wait_dma2 semaphore(%arg12 : memref<!tpu.dma_semaphore, #tpu.memory_space<semaphore_mem>>) src(%arg8 : memref<200x128xi32, #tpu.memory_space<vmem>>) dst(%dma_wait3A_63 : memref<200x128xi32, #tpu.memory_space<hbm>>)
        } else {
        }
        %not3A = arith.constant true
        %not3A_30 = arith.xori %lt3A_21, %not3A : i1
        %convert_element_type3A_31 = arith.extui %not3A_30 : i1 to i32
        %cond3A_32 = arith.constant 0 : i32
        %cond3A_33 = arith.cmpi ne, %convert_element_type3A_31, %cond3A_32 : i32
        scf.if %cond3A_33 {
          %dma_wait3A = arith.constant 0 : i32
          %dma_wait3A_34 = arith.constant 0 : i32
          %dma_wait3A_35 = tpu.memref_slice %arg3[%dma_wait3A, %dma_wait3A_34] : memref<10000x128xi32, #tpu.memory_space<hbm>> -> memref<10000x128xi32, #tpu.memory_space<hbm>>
          tpu.wait_indirect_dma semaphore(%arg9 : memref<!tpu.dma_semaphore, #tpu.memory_space<semaphore_mem>>) src(%dma_wait3A_35 : memref<10000x128xi32, #tpu.memory_space<hbm>>) dst(%arg7 : memref<200x128xi32, #tpu.memory_space<vmem>>)
          %mul3A_36 = arith.constant 200 : i32
          %mul3A_37 = arith.muli %add3A_11, %mul3A_36 : i32
          "tpu.region"() ({
            %run_scoped3A = tpu.sem_alloc : memref<!tpu.dma_semaphore, #tpu.memory_space<semaphore_mem>>
            %dma_start3A_38 = arith.constant 0 : i32
            %dma_start3A_39 = tpu.memref_slice %arg4[%mul3A_37, %dma_start3A_38] : memref<160000x128xi32, #tpu.memory_space<hbm>> -> memref<200x128xi32, #tpu.memory_space<hbm>>
            %dma_start3A_40 = arith.constant 0 : i32
            %dma_start3A_41 = tpu.memref_slice %arg4[%mul3A_37, %dma_start3A_40] : memref<160000x128xi32, #tpu.memory_space<hbm>> -> memref<200x128xi32, #tpu.memory_space<hbm>>
            tpu.enqueue_dma source(%arg7 : memref<200x128xi32, #tpu.memory_space<vmem>>) target(%dma_start3A_41 : memref<200x128xi32, #tpu.memory_space<hbm>>) target_semaphore(%run_scoped3A : memref<!tpu.dma_semaphore, #tpu.memory_space<semaphore_mem>>)
            %dma_wait3A_42 = arith.constant 0 : i32
            %dma_wait3A_43 = tpu.memref_slice %arg4[%mul3A_37, %dma_wait3A_42] : memref<160000x128xi32, #tpu.memory_space<hbm>> -> memref<200x128xi32, #tpu.memory_space<hbm>>
            %dma_wait3A_44 = arith.constant 0 : i32
            %dma_wait3A_45 = tpu.memref_slice %arg4[%mul3A_37, %dma_wait3A_44] : memref<160000x128xi32, #tpu.memory_space<hbm>> -> memref<200x128xi32, #tpu.memory_space<hbm>>
            tpu.wait_dma2 semaphore(%run_scoped3A : memref<!tpu.dma_semaphore, #tpu.memory_space<semaphore_mem>>) src(%arg7 : memref<200x128xi32, #tpu.memory_space<vmem>>) dst(%dma_wait3A_45 : memref<200x128xi32, #tpu.memory_space<hbm>>)
            tpu.yield
          }) : () -> ()
        } else {
        }
      } else {
      }
    }
    %scan3A_5 = arith.constant 13 : i32
    return
  }
}

module attributes {stable_mosaic.version = 14 : i64} {
  func.func @_pack_body(%arg0: i32, %arg1: memref<1000x256xf32, #tpu.memory_space<vmem>>, %arg2: memref<1000x128xi32, #tpu.memory_space<vmem>>) attributes {dimension_semantics = [#tpu.dimension_semantics<arbitrary>], iteration_bounds = array<i64: 10>, scalar_prefetch = 0 : i64, scratch_operands = 0 : i64, tpu.core_type = #tpu.core_type<tc>, window_params = [{transform_indices = @transform_0, window_bounds = array<i64: 1000, 256>}, {transform_indices = @transform_1, window_bounds = array<i64: 1000, 128>}]} {
    %get3A = arith.constant 0 : index
    %get3A_0 = arith.constant 0 : index
    %get3A_1 = vector.load %arg1[%get3A, %get3A_0] : memref<1000x256xf32, #tpu.memory_space<vmem>>, vector<1000x256xf32>
    %bitcast_convert_type3A = tpu.bitcast %get3A_1 : vector<1000x256xf32> -> vector<1000x256xi32>
    %slice3A = vector.extract_strided_slice %bitcast_convert_type3A {offsets = [0, 0], sizes = [1000, 128], strides = [1, 1]} : vector<1000x256xi32> to vector<1000x128xi32>
    %slice3A_2 = vector.extract_strided_slice %bitcast_convert_type3A {offsets = [0, 128], sizes = [1000, 128], strides = [1, 1]} : vector<1000x256xi32> to vector<1000x128xi32>
    %add3A = arith.constant 32767 : i32
    %add3A_3 = vector.broadcast %add3A : i32 to vector<1000x128xi32>
    %add3A_4 = arith.addi %slice3A_2, %add3A_3 : vector<1000x128xi32>
    %shift_right_logical3A = arith.constant 16 : i32
    %shift_right_logical3A_5 = vector.broadcast %shift_right_logical3A : i32 to vector<1000x128xi32>
    %shift_right_logical3A_6 = arith.shrui %slice3A_2, %shift_right_logical3A_5 : vector<1000x128xi32>
    %and3A = arith.constant 1 : i32
    %and3A_7 = vector.broadcast %and3A : i32 to vector<1000x128xi32>
    %and3A_8 = arith.andi %shift_right_logical3A_6, %and3A_7 : vector<1000x128xi32>
    %add3A_9 = arith.addi %add3A_4, %and3A_8 : vector<1000x128xi32>
    %and3A_10 = arith.constant -65536 : i32
    %and3A_11 = vector.broadcast %and3A_10 : i32 to vector<1000x128xi32>
    %and3A_12 = arith.andi %add3A_9, %and3A_11 : vector<1000x128xi32>
    %add3A_13 = arith.constant 32767 : i32
    %add3A_14 = vector.broadcast %add3A_13 : i32 to vector<1000x128xi32>
    %add3A_15 = arith.addi %slice3A, %add3A_14 : vector<1000x128xi32>
    %shift_right_logical3A_16 = arith.constant 16 : i32
    %shift_right_logical3A_17 = vector.broadcast %shift_right_logical3A_16 : i32 to vector<1000x128xi32>
    %shift_right_logical3A_18 = arith.shrui %slice3A, %shift_right_logical3A_17 : vector<1000x128xi32>
    %and3A_19 = arith.constant 1 : i32
    %and3A_20 = vector.broadcast %and3A_19 : i32 to vector<1000x128xi32>
    %and3A_21 = arith.andi %shift_right_logical3A_18, %and3A_20 : vector<1000x128xi32>
    %add3A_22 = arith.addi %add3A_15, %and3A_21 : vector<1000x128xi32>
    %shift_right_logical3A_23 = arith.constant 16 : i32
    %shift_right_logical3A_24 = vector.broadcast %shift_right_logical3A_23 : i32 to vector<1000x128xi32>
    %shift_right_logical3A_25 = arith.shrui %add3A_22, %shift_right_logical3A_24 : vector<1000x128xi32>
    %or3A = arith.ori %and3A_12, %shift_right_logical3A_25 : vector<1000x128xi32>
    %swap3A = arith.constant 0 : index
    %swap3A_26 = arith.constant 0 : index
    %swap3A_27 = vector.load %arg2[%swap3A, %swap3A_26] : memref<1000x128xi32, #tpu.memory_space<vmem>>, vector<1000x128xi32>
    tpu.vector_store %arg2[%swap3A, %swap3A_26], %or3A {strides = array<i32>} : memref<1000x128xi32, #tpu.memory_space<vmem>>, vector<1000x128xi32>,
    return
  }
  func.func @transform_0(%arg0: i32) -> (i32, i32) {
    %c0_i32 = arith.constant 0 : i32
    %c0_i32_0 = arith.constant 0 : i32
    return %arg0, %c0_i32 : i32, i32
  }
  func.func @transform_1(%arg0: i32) -> (i32, i32) {
    %c0_i32 = arith.constant 0 : i32
    %c0_i32_0 = arith.constant 0 : i32
    return %arg0, %c0_i32 : i32, i32
  }
}

module attributes {stable_mosaic.version = 14 : i64} {
  func.func @_proj_body(%arg0: i32, %arg1: memref<1000x256xf32, #tpu.memory_space<vmem>>, %arg2: memref<1000x256xf32, #tpu.memory_space<vmem>>, %arg3: memref<1000x256xf32, #tpu.memory_space<vmem>>, %arg4: memref<256x256xbf16, #tpu.memory_space<vmem>>, %arg5: memref<1x256xf32, #tpu.memory_space<vmem>>, %arg6: memref<256x256xbf16, #tpu.memory_space<vmem>>, %arg7: memref<256x256xbf16, #tpu.memory_space<vmem>>, %arg8: memref<1x256xf32, #tpu.memory_space<vmem>>, %arg9: memref<256x256xbf16, #tpu.memory_space<vmem>>, %arg10: memref<256x256xbf16, #tpu.memory_space<vmem>>, %arg11: memref<1x256xf32, #tpu.memory_space<vmem>>, %arg12: memref<256x256xbf16, #tpu.memory_space<vmem>>, %arg13: memref<1000x256xbf16, #tpu.memory_space<vmem>>, %arg14: memref<1000x256xbf16, #tpu.memory_space<vmem>>, %arg15: memref<1000x256xbf16, #tpu.memory_space<vmem>>, %arg16: memref<1000x256xbf16, #tpu.memory_space<vmem>>, %arg17: memref<1000x256xbf16, #tpu.memory_space<vmem>>, %arg18: memref<1000x256xbf16, #tpu.memory_space<vmem>>) attributes {dimension_semantics = [#tpu.dimension_semantics<arbitrary>], iteration_bounds = array<i64: 10>, scalar_prefetch = 0 : i64, scratch_operands = 0 : i64, tpu.core_type = #tpu.core_type<tc>, window_params = [{transform_indices = @transform_0, window_bounds = array<i64: 1000, 256>}, {transform_indices = @transform_1, window_bounds = array<i64: 1000, 256>}, {transform_indices = @transform_2, window_bounds = array<i64: 1000, 256>}, {pipeline_mode = #tpu.pipeline_mode<synchronous>, transform_indices = @transform_3, window_bounds = array<i64: 256, 256>}, {pipeline_mode = #tpu.pipeline_mode<synchronous>, transform_indices = @transform_4, window_bounds = array<i64: 1, 256>}, {pipeline_mode = #tpu.pipeline_mode<synchronous>, transform_indices = @transform_5, window_bounds = array<i64: 256, 256>}, {pipeline_mode = #tpu.pipeline_mode<synchronous>, transform_indices = @transform_6, window_bounds = array<i64: 256, 256>}, {pipeline_mode = #tpu.pipeline_mode<synchronous>, transform_indices = @transform_7, window_bounds = array<i64: 1, 256>}, {pipeline_mode = #tpu.pipeline_mode<synchronous>, transform_indices = @transform_8, window_bounds = array<i64: 256, 256>}, {pipeline_mode = #tpu.pipeline_mode<synchronous>, transform_indices = @transform_9, window_bounds = array<i64: 256, 256>}, {pipeline_mode = #tpu.pipeline_mode<synchronous>, transform_indices = @transform_10, window_bounds = array<i64: 1, 256>}, {pipeline_mode = #tpu.pipeline_mode<synchronous>, transform_indices = @transform_11, window_bounds = array<i64: 256, 256>}, {transform_indices = @transform_12, window_bounds = array<i64: 1000, 256>}, {transform_indices = @transform_13, window_bounds = array<i64: 1000, 256>}, {transform_indices = @transform_14, window_bounds = array<i64: 1000, 256>}, {transform_indices = @transform_15, window_bounds = array<i64: 1000, 256>}, {transform_indices = @transform_16, window_bounds = array<i64: 1000, 256>}, {transform_indices = @transform_17, window_bounds = array<i64: 1000, 256>}]} {
    %get3A = arith.constant 0 : index
    %get3A_0 = arith.constant 0 : index
    %get3A_1 = vector.load %arg1[%get3A, %get3A_0] : memref<1000x256xf32, #tpu.memory_space<vmem>>, vector<1000x256xf32>
    %convert_element_type3A = arith.truncf %get3A_1 : vector<1000x256xf32> to vector<1000x256xbf16>
    %get3A_2 = arith.constant 0 : index
    %get3A_3 = arith.constant 0 : index
    %get3A_4 = vector.load %arg4[%get3A_2, %get3A_3] : memref<256x256xbf16, #tpu.memory_space<vmem>>, vector<256x256xbf16>
    %dot_general3A = arith.constant dense<0.000000e+00> : vector<1000x256xf32>
    %dot_general3A_5 = tpu.matmul %convert_element_type3A, %get3A_4, %dot_general3A {dimension_numbers = #tpu.dot_dimension_numbers<[1], [0], [0], [1], [0, 0, 1, 1], [], []>, transpose_lhs_hint = false} : vector<1000x256xbf16>, vector<256x256xbf16>, vector<1000x256xf32> -> vector<1000x256xf32>
    %get3A_6 = arith.constant 0 : index
    %get3A_7 = arith.constant 0 : index
    %get3A_8 = vector.load %arg5[%get3A_6, %get3A_7] : memref<1x256xf32, #tpu.memory_space<vmem>>, vector<1x256xf32>
    %add3A = vector.broadcast %get3A_8 : vector<1x256xf32> to vector<1000x256xf32>
    %add3A_9 = arith.addf %dot_general3A_5, %add3A : vector<1000x256xf32>
    %convert_element_type3A_10 = arith.truncf %add3A_9 : vector<1000x256xf32> to vector<1000x256xbf16>
    %swap3A = arith.constant 0 : index
    %swap3A_11 = arith.constant 0 : index
    %swap3A_12 = vector.load %arg13[%swap3A, %swap3A_11] : memref<1000x256xbf16, #tpu.memory_space<vmem>>, vector<1000x256xbf16>
    tpu.vector_store %arg13[%swap3A, %swap3A_11], %convert_element_type3A_10 {strides = array<i32>} : memref<1000x256xbf16, #tpu.memory_space<vmem>>, vector<1000x256xbf16>,
    %convert_element_type3A_13 = arith.truncf %add3A_9 : vector<1000x256xf32> to vector<1000x256xbf16>
    %get3A_14 = arith.constant 0 : index
    %get3A_15 = arith.constant 0 : index
    %get3A_16 = vector.load %arg6[%get3A_14, %get3A_15] : memref<256x256xbf16, #tpu.memory_space<vmem>>, vector<256x256xbf16>
    %dot_general3A_17 = arith.constant dense<0.000000e+00> : vector<1000x256xf32>
    %dot_general3A_18 = tpu.matmul %convert_element_type3A_13, %get3A_16, %dot_general3A_17 {dimension_numbers = #tpu.dot_dimension_numbers<[1], [1], [0], [0], [0, 0, 1, 0], [], []>, transpose_lhs_hint = false} : vector<1000x256xbf16>, vector<256x256xbf16>, vector<1000x256xf32> -> vector<1000x256xf32>
    %mul3A = arith.constant 6.250000e-02 : f32
    %mul3A_19 = vector.broadcast %mul3A : f32 to vector<1000x256xf32>
    %mul3A_20 = arith.mulf %dot_general3A_18, %mul3A_19 : vector<1000x256xf32>
    %convert_element_type3A_21 = arith.truncf %mul3A_20 : vector<1000x256xf32> to vector<1000x256xbf16>
    %swap3A_22 = arith.constant 0 : index
    %swap3A_23 = arith.constant 0 : index
    %swap3A_24 = vector.load %arg16[%swap3A_22, %swap3A_23] : memref<1000x256xbf16, #tpu.memory_space<vmem>>, vector<1000x256xbf16>
    tpu.vector_store %arg16[%swap3A_22, %swap3A_23], %convert_element_type3A_21 {strides = array<i32>} : memref<1000x256xbf16, #tpu.memory_space<vmem>>, vector<1000x256xbf16>,
    %get3A_25 = arith.constant 0 : index
    %get3A_26 = arith.constant 0 : index
    %get3A_27 = vector.load %arg2[%get3A_25, %get3A_26] : memref<1000x256xf32, #tpu.memory_space<vmem>>, vector<1000x256xf32>
    %convert_element_type3A_28 = arith.truncf %get3A_27 : vector<1000x256xf32> to vector<1000x256xbf16>
    %get3A_29 = arith.constant 0 : index
    %get3A_30 = arith.constant 0 : index
    %get3A_31 = vector.load %arg7[%get3A_29, %get3A_30] : memref<256x256xbf16, #tpu.memory_space<vmem>>, vector<256x256xbf16>
    %dot_general3A_32 = arith.constant dense<0.000000e+00> : vector<1000x256xf32>
    %dot_general3A_33 = tpu.matmul %convert_element_type3A_28, %get3A_31, %dot_general3A_32 {dimension_numbers = #tpu.dot_dimension_numbers<[1], [0], [0], [1], [0, 0, 1, 1], [], []>, transpose_lhs_hint = false} : vector<1000x256xbf16>, vector<256x256xbf16>, vector<1000x256xf32> -> vector<1000x256xf32>
    %get3A_34 = arith.constant 0 : index
    %get3A_35 = arith.constant 0 : index
    %get3A_36 = vector.load %arg8[%get3A_34, %get3A_35] : memref<1x256xf32, #tpu.memory_space<vmem>>, vector<1x256xf32>
    %add3A_37 = vector.broadcast %get3A_36 : vector<1x256xf32> to vector<1000x256xf32>
    %add3A_38 = arith.addf %dot_general3A_33, %add3A_37 : vector<1000x256xf32>
    %convert_element_type3A_39 = arith.truncf %add3A_38 : vector<1000x256xf32> to vector<1000x256xbf16>
    %swap3A_40 = arith.constant 0 : index
    %swap3A_41 = arith.constant 0 : index
    %swap3A_42 = vector.load %arg14[%swap3A_40, %swap3A_41] : memref<1000x256xbf16, #tpu.memory_space<vmem>>, vector<1000x256xbf16>
    tpu.vector_store %arg14[%swap3A_40, %swap3A_41], %convert_element_type3A_39 {strides = array<i32>} : memref<1000x256xbf16, #tpu.memory_space<vmem>>, vector<1000x256xbf16>,
    %convert_element_type3A_43 = arith.truncf %add3A_38 : vector<1000x256xf32> to vector<1000x256xbf16>
    %get3A_44 = arith.constant 0 : index
    %get3A_45 = arith.constant 0 : index
    %get3A_46 = vector.load %arg9[%get3A_44, %get3A_45] : memref<256x256xbf16, #tpu.memory_space<vmem>>, vector<256x256xbf16>
    %dot_general3A_47 = arith.constant dense<0.000000e+00> : vector<1000x256xf32>
    %dot_general3A_48 = tpu.matmul %convert_element_type3A_43, %get3A_46, %dot_general3A_47 {dimension_numbers = #tpu.dot_dimension_numbers<[1], [1], [0], [0], [0, 0, 1, 0], [], []>, transpose_lhs_hint = false} : vector<1000x256xbf16>, vector<256x256xbf16>, vector<1000x256xf32> -> vector<1000x256xf32>
    %mul3A_49 = arith.constant 6.250000e-02 : f32
    %mul3A_50 = vector.broadcast %mul3A_49 : f32 to vector<1000x256xf32>
    %mul3A_51 = arith.mulf %dot_general3A_48, %mul3A_50 : vector<1000x256xf32>
    %convert_element_type3A_52 = arith.truncf %mul3A_51 : vector<1000x256xf32> to vector<1000x256xbf16>
    %swap3A_53 = arith.constant 0 : index
    %swap3A_54 = arith.constant 0 : index
    %swap3A_55 = vector.load %arg17[%swap3A_53, %swap3A_54] : memref<1000x256xbf16, #tpu.memory_space<vmem>>, vector<1000x256xbf16>
    tpu.vector_store %arg17[%swap3A_53, %swap3A_54], %convert_element_type3A_52 {strides = array<i32>} : memref<1000x256xbf16, #tpu.memory_space<vmem>>, vector<1000x256xbf16>,
    %get3A_56 = arith.constant 0 : index
    %get3A_57 = arith.constant 0 : index
    %get3A_58 = vector.load %arg3[%get3A_56, %get3A_57] : memref<1000x256xf32, #tpu.memory_space<vmem>>, vector<1000x256xf32>
    %convert_element_type3A_59 = arith.truncf %get3A_58 : vector<1000x256xf32> to vector<1000x256xbf16>
    %get3A_60 = arith.constant 0 : index
    %get3A_61 = arith.constant 0 : index
    %get3A_62 = vector.load %arg10[%get3A_60, %get3A_61] : memref<256x256xbf16, #tpu.memory_space<vmem>>, vector<256x256xbf16>
    %dot_general3A_63 = arith.constant dense<0.000000e+00> : vector<1000x256xf32>
    %dot_general3A_64 = tpu.matmul %convert_element_type3A_59, %get3A_62, %dot_general3A_63 {dimension_numbers = #tpu.dot_dimension_numbers<[1], [0], [0], [1], [0, 0, 1, 1], [], []>, transpose_lhs_hint = false} : vector<1000x256xbf16>, vector<256x256xbf16>, vector<1000x256xf32> -> vector<1000x256xf32>
    %get3A_65 = arith.constant 0 : index
    %get3A_66 = arith.constant 0 : index
    %get3A_67 = vector.load %arg11[%get3A_65, %get3A_66] : memref<1x256xf32, #tpu.memory_space<vmem>>, vector<1x256xf32>
    %add3A_68 = vector.broadcast %get3A_67 : vector<1x256xf32> to vector<1000x256xf32>
    %add3A_69 = arith.addf %dot_general3A_64, %add3A_68 : vector<1000x256xf32>
    %convert_element_type3A_70 = arith.truncf %add3A_69 : vector<1000x256xf32> to vector<1000x256xbf16>
    %swap3A_71 = arith.constant 0 : index
    %swap3A_72 = arith.constant 0 : index
    %swap3A_73 = vector.load %arg15[%swap3A_71, %swap3A_72] : memref<1000x256xbf16, #tpu.memory_space<vmem>>, vector<1000x256xbf16>
    tpu.vector_store %arg15[%swap3A_71, %swap3A_72], %convert_element_type3A_70 {strides = array<i32>} : memref<1000x256xbf16, #tpu.memory_space<vmem>>, vector<1000x256xbf16>,
    %convert_element_type3A_74 = arith.truncf %add3A_69 : vector<1000x256xf32> to vector<1000x256xbf16>
    %get3A_75 = arith.constant 0 : index
    %get3A_76 = arith.constant 0 : index
    %get3A_77 = vector.load %arg12[%get3A_75, %get3A_76] : memref<256x256xbf16, #tpu.memory_space<vmem>>, vector<256x256xbf16>
    %dot_general3A_78 = arith.constant dense<0.000000e+00> : vector<1000x256xf32>
    %dot_general3A_79 = tpu.matmul %convert_element_type3A_74, %get3A_77, %dot_general3A_78 {dimension_numbers = #tpu.dot_dimension_numbers<[1], [1], [0], [0], [0, 0, 1, 0], [], []>, transpose_lhs_hint = false} : vector<1000x256xbf16>, vector<256x256xbf16>, vector<1000x256xf32> -> vector<1000x256xf32>
    %mul3A_80 = arith.constant 6.250000e-02 : f32
    %mul3A_81 = vector.broadcast %mul3A_80 : f32 to vector<1000x256xf32>
    %mul3A_82 = arith.mulf %dot_general3A_79, %mul3A_81 : vector<1000x256xf32>
    %convert_element_type3A_83 = arith.truncf %mul3A_82 : vector<1000x256xf32> to vector<1000x256xbf16>
    %swap3A_84 = arith.constant 0 : index
    %swap3A_85 = arith.constant 0 : index
    %swap3A_86 = vector.load %arg18[%swap3A_84, %swap3A_85] : memref<1000x256xbf16, #tpu.memory_space<vmem>>, vector<1000x256xbf16>
    tpu.vector_store %arg18[%swap3A_84, %swap3A_85], %convert_element_type3A_83 {strides = array<i32>} : memref<1000x256xbf16, #tpu.memory_space<vmem>>, vector<1000x256xbf16>,
    return
  }
  func.func @transform_0(%arg0: i32) -> (i32, i32) {
    %c0_i32 = arith.constant 0 : i32
    %c0_i32_0 = arith.constant 0 : i32
    return %arg0, %c0_i32 : i32, i32
  }
  func.func @transform_1(%arg0: i32) -> (i32, i32) {
    %c0_i32 = arith.constant 0 : i32
    %c0_i32_0 = arith.constant 0 : i32
    return %arg0, %c0_i32 : i32, i32
  }
  func.func @transform_2(%arg0: i32) -> (i32, i32) {
    %c0_i32 = arith.constant 0 : i32
    %c0_i32_0 = arith.constant 0 : i32
    return %arg0, %c0_i32 : i32, i32
  }
  func.func @transform_3(%arg0: i32) -> (i32, i32) {
    %c0_i32 = arith.constant 0 : i32
    %c0_i32_0 = arith.constant 0 : i32
    %c0_i32_1 = arith.constant 0 : i32
    return %c0_i32, %c0_i32_0 : i32, i32
  }
  func.func @transform_4(%arg0: i32) -> (i32, i32) {
    %c0_i32 = arith.constant 0 : i32
    %c0_i32_0 = arith.constant 0 : i32
    %c0_i32_1 = arith.constant 0 : i32
    return %c0_i32, %c0_i32_0 : i32, i32
  }
  func.func @transform_5(%arg0: i32) -> (i32, i32) {
    %c0_i32 = arith.constant 0 : i32
    %c0_i32_0 = arith.constant 0 : i32
    %c0_i32_1 = arith.constant 0 : i32
    return %c0_i32, %c0_i32_0 : i32, i32
  }
  func.func @transform_6(%arg0: i32) -> (i32, i32) {
    %c0_i32 = arith.constant 0 : i32
    %c0_i32_0 = arith.constant 0 : i32
    %c0_i32_1 = arith.constant 0 : i32
    return %c0_i32, %c0_i32_0 : i32, i32
  }
  func.func @transform_7(%arg0: i32) -> (i32, i32) {
    %c0_i32 = arith.constant 0 : i32
    %c0_i32_0 = arith.constant 0 : i32
    %c0_i32_1 = arith.constant 0 : i32
    return %c0_i32, %c0_i32_0 : i32, i32
  }
  func.func @transform_8(%arg0: i32) -> (i32, i32) {
    %c0_i32 = arith.constant 0 : i32
    %c0_i32_0 = arith.constant 0 : i32
    %c0_i32_1 = arith.constant 0 : i32
    return %c0_i32, %c0_i32_0 : i32, i32
  }
  func.func @transform_9(%arg0: i32) -> (i32, i32) {
    %c0_i32 = arith.constant 0 : i32
    %c0_i32_0 = arith.constant 0 : i32
    %c0_i32_1 = arith.constant 0 : i32
    return %c0_i32, %c0_i32_0 : i32, i32
  }
  func.func @transform_10(%arg0: i32) -> (i32, i32) {
    %c0_i32 = arith.constant 0 : i32
    %c0_i32_0 = arith.constant 0 : i32
    %c0_i32_1 = arith.constant 0 : i32
    return %c0_i32, %c0_i32_0 : i32, i32
  }
  func.func @transform_11(%arg0: i32) -> (i32, i32) {
    %c0_i32 = arith.constant 0 : i32
    %c0_i32_0 = arith.constant 0 : i32
    %c0_i32_1 = arith.constant 0 : i32
    return %c0_i32, %c0_i32_0 : i32, i32
  }
  func.func @transform_12(%arg0: i32) -> (i32, i32) {
    %c0_i32 = arith.constant 0 : i32
    %c0_i32_0 = arith.constant 0 : i32
    return %arg0, %c0_i32 : i32, i32
  }
  func.func @transform_13(%arg0: i32) -> (i32, i32) {
    %c0_i32 = arith.constant 0 : i32
    %c0_i32_0 = arith.constant 0 : i32
    return %arg0, %c0_i32 : i32, i32
  }
  func.func @transform_14(%arg0: i32) -> (i32, i32) {
    %c0_i32 = arith.constant 0 : i32
    %c0_i32_0 = arith.constant 0 : i32
    return %arg0, %c0_i32 : i32, i32
  }
  func.func @transform_15(%arg0: i32) -> (i32, i32) {
    %c0_i32 = arith.constant 0 : i32
    %c0_i32_0 = arith.constant 0 : i32
    return %arg0, %c0_i32 : i32, i32
  }
  func.func @transform_16(%arg0: i32) -> (i32, i32) {
    %c0_i32 = arith.constant 0 : i32
    %c0_i32_0 = arith.constant 0 : i32
    return %arg0, %c0_i32 : i32, i32
  }
  func.func @transform_17(%arg0: i32) -> (i32, i32) {
    %c0_i32 = arith.constant 0 : i32
    %c0_i32_0 = arith.constant 0 : i32
    return %arg0, %c0_i32 : i32, i32
  }
}

module attributes {stable_mosaic.version = 14 : i64} {
  func.func @_attn_body(%arg0: i32, %arg1: memref<16x200x128xi32, #tpu.memory_space<vmem>>, %arg2: memref<200x256xbf16, #tpu.memory_space<vmem>>, %arg3: memref<200x256xbf16, #tpu.memory_space<vmem>>, %arg4: memref<200x256xbf16, #tpu.memory_space<vmem>>, %arg5: memref<200x256xbf16, #tpu.memory_space<vmem>>, %arg6: memref<200x256xbf16, #tpu.memory_space<vmem>>, %arg7: memref<200x256xbf16, #tpu.memory_space<vmem>>, %arg8: memref<200x256xf32, #tpu.memory_space<vmem>>, %arg9: memref<2048x16xbf16, #tpu.memory_space<vmem>>, %arg10: memref<16x2048xbf16, #tpu.memory_space<vmem>>, %arg11: memref<256x256xbf16, #tpu.memory_space<vmem>>, %arg12: memref<1x256xf32, #tpu.memory_space<vmem>>, %arg13: memref<1x256xf32, #tpu.memory_space<vmem>>, %arg14: memref<1x256xf32, #tpu.memory_space<vmem>>, %arg15: memref<256x256xbf16, #tpu.memory_space<vmem>>, %arg16: memref<1x256xf32, #tpu.memory_space<vmem>>, %arg17: memref<1x256xf32, #tpu.memory_space<vmem>>, %arg18: memref<1x256xf32, #tpu.memory_space<vmem>>, %arg19: memref<256x256xbf16, #tpu.memory_space<vmem>>, %arg20: memref<1x256xf32, #tpu.memory_space<vmem>>, %arg21: memref<1x256xf32, #tpu.memory_space<vmem>>, %arg22: memref<1x256xf32, #tpu.memory_space<vmem>>, %arg23: memref<256x128xbf16, #tpu.memory_space<vmem>>, %arg24: memref<1x128xf32, #tpu.memory_space<vmem>>, %arg25: memref<128x128xbf16, #tpu.memory_space<vmem>>, %arg26: memref<1x128xf32, #tpu.memory_space<vmem>>, %arg27: memref<1x256xf32, #tpu.memory_space<vmem>>, %arg28: memref<1x256xf32, #tpu.memory_space<vmem>>, %arg29: memref<200x256xf32, #tpu.memory_space<vmem>>) attributes {dimension_semantics = [#tpu.dimension_semantics<arbitrary>], iteration_bounds = array<i64: 50>, scalar_prefetch = 0 : i64, scratch_operands = 0 : i64, tpu.core_type = #tpu.core_type<tc>, window_params = [{transform_indices = @transform_0, window_bounds = array<i64: 16, 200, 128>}, {transform_indices = @transform_1, window_bounds = array<i64: 200, 256>}, {transform_indices = @transform_2, window_bounds = array<i64: 200, 256>}, {transform_indices = @transform_3, window_bounds = array<i64: 200, 256>}, {transform_indices = @transform_4, window_bounds = array<i64: 200, 256>}, {transform_indices = @transform_5, window_bounds = array<i64: 200, 256>}, {transform_indices = @transform_6, window_bounds = array<i64: 200, 256>}, {transform_indices = @transform_7, window_bounds = array<i64: 200, 256>}, {pipeline_mode = #tpu.pipeline_mode<synchronous>, transform_indices = @transform_8, window_bounds = array<i64: 2048, 16>}, {pipeline_mode = #tpu.pipeline_mode<synchronous>, transform_indices = @transform_9, window_bounds = array<i64: 16, 2048>}, {pipeline_mode = #tpu.pipeline_mode<synchronous>, transform_indices = @transform_10, window_bounds = array<i64: 256, 256>}, {pipeline_mode = #tpu.pipeline_mode<synchronous>, transform_indices = @transform_11, window_bounds = array<i64: 1, 256>}, {pipeline_mode = #tpu.pipeline_mode<synchronous>, transform_indices = @transform_12, window_bounds = array<i64: 1, 256>}, {pipeline_mode = #tpu.pipeline_mode<synchronous>, transform_indices = @transform_13, window_bounds = array<i64: 1, 256>}, {pipeline_mode = #tpu.pipeline_mode<synchronous>, transform_indices = @transform_14, window_bounds = array<i64: 256, 256>}, {pipeline_mode = #tpu.pipeline_mode<synchronous>, transform_indices = @transform_15, window_bounds = array<i64: 1, 256>}, {pipeline_mode = #tpu.pipeline_mode<synchronous>, transform_indices = @transform_16, window_bounds = array<i64: 1, 256>}, {pipeline_mode = #tpu.pipeline_mode<synchronous>, transform_indices = @transform_17, window_bounds = array<i64: 1, 256>}, {pipeline_mode = #tpu.pipeline_mode<synchronous>, transform_indices = @transform_18, window_bounds = array<i64: 256, 256>}, {pipeline_mode = #tpu.pipeline_mode<synchronous>, transform_indices = @transform_19, window_bounds = array<i64: 1, 256>}, {pipeline_mode = #tpu.pipeline_mode<synchronous>, transform_indices = @transform_20, window_bounds = array<i64: 1, 256>}, {pipeline_mode = #tpu.pipeline_mode<synchronous>, transform_indices = @transform_21, window_bounds = array<i64: 1, 256>}, {pipeline_mode = #tpu.pipeline_mode<synchronous>, transform_indices = @transform_22, window_bounds = array<i64: 256, 128>}, {pipeline_mode = #tpu.pipeline_mode<synchronous>, transform_indices = @transform_23, window_bounds = array<i64: 1, 128>}, {pipeline_mode = #tpu.pipeline_mode<synchronous>, transform_indices = @transform_24, window_bounds = array<i64: 128, 128>}, {pipeline_mode = #tpu.pipeline_mode<synchronous>, transform_indices = @transform_25, window_bounds = array<i64: 1, 128>}, {pipeline_mode = #tpu.pipeline_mode<synchronous>, transform_indices = @transform_26, window_bounds = array<i64: 1, 256>}, {pipeline_mode = #tpu.pipeline_mode<synchronous>, transform_indices = @transform_27, window_bounds = array<i64: 1, 256>}, {transform_indices = @transform_28, window_bounds = array<i64: 200, 256>}]} {
    %get3A = arith.constant 0 : index
    %get3A_0 = arith.constant 0 : index
    %get3A_1 = vector.load %arg8[%get3A, %get3A_0] : memref<200x256xf32, #tpu.memory_space<vmem>>, vector<200x256xf32>
    %get3A_2 = arith.constant 0 : index
    %get3A_3 = arith.constant 0 : index
    %get3A_4 = vector.load %arg9[%get3A_2, %get3A_3] : memref<2048x16xbf16, #tpu.memory_space<vmem>>, vector<2048x16xbf16>
    %get3A_5 = arith.constant 0 : index
    %get3A_6 = arith.constant 0 : index
    %get3A_7 = vector.load %arg10[%get3A_5, %get3A_6] : memref<16x2048xbf16, #tpu.memory_space<vmem>>, vector<16x2048xbf16>
    %get3A_8 = arith.constant 0 : index
    %get3A_9 = arith.constant 0 : index
    %get3A_10 = vector.load %arg2[%get3A_8, %get3A_9] : memref<200x256xbf16, #tpu.memory_space<vmem>>, vector<200x256xbf16>
    %get3A_11 = arith.constant 0 : index
    %get3A_12 = arith.constant 0 : index
    %get3A_13 = vector.load %arg3[%get3A_11, %get3A_12] : memref<200x256xbf16, #tpu.memory_space<vmem>>, vector<200x256xbf16>
    %get3A_14 = arith.constant 0 : index
    %get3A_15 = arith.constant 0 : index
    %get3A_16 = vector.load %arg4[%get3A_14, %get3A_15] : memref<200x256xbf16, #tpu.memory_space<vmem>>, vector<200x256xbf16>
    %slice3A = vector.extract_strided_slice %get3A_10 {offsets = [0, 0], sizes = [200, 128], strides = [1, 1]} : vector<200x256xbf16> to vector<200x128xbf16>
    %slice3A_17 = vector.extract_strided_slice %get3A_10 {offsets = [0, 128], sizes = [200, 128], strides = [1, 1]} : vector<200x256xbf16> to vector<200x128xbf16>
    %slice3A_18 = vector.extract_strided_slice %get3A_13 {offsets = [0, 0], sizes = [200, 128], strides = [1, 1]} : vector<200x256xbf16> to vector<200x128xbf16>
    %slice3A_19 = vector.extract_strided_slice %get3A_13 {offsets = [0, 128], sizes = [200, 128], strides = [1, 1]} : vector<200x256xbf16> to vector<200x128xbf16>
    %slice3A_20 = vector.extract_strided_slice %get3A_16 {offsets = [0, 0], sizes = [200, 128], strides = [1, 1]} : vector<200x256xbf16> to vector<200x128xbf16>
    %slice3A_21 = vector.extract_strided_slice %get3A_16 {offsets = [0, 128], sizes = [200, 128], strides = [1, 1]} : vector<200x256xbf16> to vector<200x128xbf16>
    %get3A_22 = arith.constant 0 : index
    %get3A_23 = arith.constant 0 : index
    %get3A_24 = arith.constant 0 : index
    %get3A_25 = vector.load %arg1[%get3A_22, %get3A_23, %get3A_24] : memref<16x200x128xi32, #tpu.memory_space<vmem>>, vector<1x200x128xi32>
    %get3A_26 = vector.shape_cast %get3A_25 : vector<1x200x128xi32> to vector<200x128xi32>
    %shift_left3A = arith.constant 16 : i32
    %shift_left3A_27 = vector.broadcast %shift_left3A : i32 to vector<200x128xi32>
    %shift_left3A_28 = arith.shli %get3A_26, %shift_left3A_27 : vector<200x128xi32>
    %bitcast_convert_type3A = tpu.bitcast %shift_left3A_28 : vector<200x128xi32> -> vector<200x128xf32>
    %and3A = arith.constant -65536 : i32
    %and3A_29 = vector.broadcast %and3A : i32 to vector<200x128xi32>
    %and3A_30 = arith.andi %get3A_26, %and3A_29 : vector<200x128xi32>
    %bitcast_convert_type3A_31 = tpu.bitcast %and3A_30 : vector<200x128xi32> -> vector<200x128xf32>
    %convert_element_type3A = arith.truncf %bitcast_convert_type3A : vector<200x128xf32> to vector<200x128xbf16>
    %convert_element_type3A_32 = arith.truncf %bitcast_convert_type3A_31 : vector<200x128xf32> to vector<200x128xbf16>
    %mul3A = arith.mulf %convert_element_type3A, %slice3A : vector<200x128xbf16>
    %mul3A_33 = arith.mulf %convert_element_type3A_32, %slice3A_17 : vector<200x128xbf16>
    %add3A = arith.addf %mul3A, %mul3A_33 : vector<200x128xbf16>
    %mul3A_34 = arith.mulf %convert_element_type3A, %slice3A_18 : vector<200x128xbf16>
    %mul3A_35 = arith.mulf %convert_element_type3A_32, %slice3A_19 : vector<200x128xbf16>
    %add3A_36 = arith.addf %mul3A_34, %mul3A_35 : vector<200x128xbf16>
    %mul3A_37 = arith.mulf %convert_element_type3A, %slice3A_20 : vector<200x128xbf16>
    %mul3A_38 = arith.mulf %convert_element_type3A_32, %slice3A_21 : vector<200x128xbf16>
    %add3A_39 = arith.addf %mul3A_37, %mul3A_38 : vector<200x128xbf16>
    %get3A_40 = arith.constant 1 : index
    %get3A_41 = arith.constant 0 : index
    %get3A_42 = arith.constant 0 : index
    %get3A_43 = vector.load %arg1[%get3A_40, %get3A_41, %get3A_42] : memref<16x200x128xi32, #tpu.memory_space<vmem>>, vector<1x200x128xi32>
    %get3A_44 = vector.shape_cast %get3A_43 : vector<1x200x128xi32> to vector<200x128xi32>
    %shift_left3A_45 = arith.constant 16 : i32
    %shift_left3A_46 = vector.broadcast %shift_left3A_45 : i32 to vector<200x128xi32>
    %shift_left3A_47 = arith.shli %get3A_44, %shift_left3A_46 : vector<200x128xi32>
    %bitcast_convert_type3A_48 = tpu.bitcast %shift_left3A_47 : vector<200x128xi32> -> vector<200x128xf32>
    %and3A_49 = arith.constant -65536 : i32
    %and3A_50 = vector.broadcast %and3A_49 : i32 to vector<200x128xi32>
    %and3A_51 = arith.andi %get3A_44, %and3A_50 : vector<200x128xi32>
    %bitcast_convert_type3A_52 = tpu.bitcast %and3A_51 : vector<200x128xi32> -> vector<200x128xf32>
    %convert_element_type3A_53 = arith.truncf %bitcast_convert_type3A_48 : vector<200x128xf32> to vector<200x128xbf16>
    %convert_element_type3A_54 = arith.truncf %bitcast_convert_type3A_52 : vector<200x128xf32> to vector<200x128xbf16>
    %mul3A_55 = arith.mulf %convert_element_type3A_53, %slice3A : vector<200x128xbf16>
    %mul3A_56 = arith.mulf %convert_element_type3A_54, %slice3A_17 : vector<200x128xbf16>
    %add3A_57 = arith.addf %mul3A_55, %mul3A_56 : vector<200x128xbf16>
    %mul3A_58 = arith.mulf %convert_element_type3A_53, %slice3A_18 : vector<200x128xbf16>
    %mul3A_59 = arith.mulf %convert_element_type3A_54, %slice3A_19 : vector<200x128xbf16>
    %add3A_60 = arith.addf %mul3A_58, %mul3A_59 : vector<200x128xbf16>
    %mul3A_61 = arith.mulf %convert_element_type3A_53, %slice3A_20 : vector<200x128xbf16>
    %mul3A_62 = arith.mulf %convert_element_type3A_54, %slice3A_21 : vector<200x128xbf16>
    %add3A_63 = arith.addf %mul3A_61, %mul3A_62 : vector<200x128xbf16>
    %get3A_64 = arith.constant 2 : index
    %get3A_65 = arith.constant 0 : index
    %get3A_66 = arith.constant 0 : index
    %get3A_67 = vector.load %arg1[%get3A_64, %get3A_65, %get3A_66] : memref<16x200x128xi32, #tpu.memory_space<vmem>>, vector<1x200x128xi32>
    %get3A_68 = vector.shape_cast %get3A_67 : vector<1x200x128xi32> to vector<200x128xi32>
    %shift_left3A_69 = arith.constant 16 : i32
    %shift_left3A_70 = vector.broadcast %shift_left3A_69 : i32 to vector<200x128xi32>
    %shift_left3A_71 = arith.shli %get3A_68, %shift_left3A_70 : vector<200x128xi32>
    %bitcast_convert_type3A_72 = tpu.bitcast %shift_left3A_71 : vector<200x128xi32> -> vector<200x128xf32>
    %and3A_73 = arith.constant -65536 : i32
    %and3A_74 = vector.broadcast %and3A_73 : i32 to vector<200x128xi32>
    %and3A_75 = arith.andi %get3A_68, %and3A_74 : vector<200x128xi32>
    %bitcast_convert_type3A_76 = tpu.bitcast %and3A_75 : vector<200x128xi32> -> vector<200x128xf32>
    %convert_element_type3A_77 = arith.truncf %bitcast_convert_type3A_72 : vector<200x128xf32> to vector<200x128xbf16>
    %convert_element_type3A_78 = arith.truncf %bitcast_convert_type3A_76 : vector<200x128xf32> to vector<200x128xbf16>
    %mul3A_79 = arith.mulf %convert_element_type3A_77, %slice3A : vector<200x128xbf16>
    %mul3A_80 = arith.mulf %convert_element_type3A_78, %slice3A_17 : vector<200x128xbf16>
    %add3A_81 = arith.addf %mul3A_79, %mul3A_80 : vector<200x128xbf16>
    %mul3A_82 = arith.mulf %convert_element_type3A_77, %slice3A_18 : vector<200x128xbf16>
    %mul3A_83 = arith.mulf %convert_element_type3A_78, %slice3A_19 : vector<200x128xbf16>
    %add3A_84 = arith.addf %mul3A_82, %mul3A_83 : vector<200x128xbf16>
    %mul3A_85 = arith.mulf %convert_element_type3A_77, %slice3A_20 : vector<200x128xbf16>
    %mul3A_86 = arith.mulf %convert_element_type3A_78, %slice3A_21 : vector<200x128xbf16>
    %add3A_87 = arith.addf %mul3A_85, %mul3A_86 : vector<200x128xbf16>
    %get3A_88 = arith.constant 3 : index
    %get3A_89 = arith.constant 0 : index
    %get3A_90 = arith.constant 0 : index
    %get3A_91 = vector.load %arg1[%get3A_88, %get3A_89, %get3A_90] : memref<16x200x128xi32, #tpu.memory_space<vmem>>, vector<1x200x128xi32>
    %get3A_92 = vector.shape_cast %get3A_91 : vector<1x200x128xi32> to vector<200x128xi32>
    %shift_left3A_93 = arith.constant 16 : i32
    %shift_left3A_94 = vector.broadcast %shift_left3A_93 : i32 to vector<200x128xi32>
    %shift_left3A_95 = arith.shli %get3A_92, %shift_left3A_94 : vector<200x128xi32>
    %bitcast_convert_type3A_96 = tpu.bitcast %shift_left3A_95 : vector<200x128xi32> -> vector<200x128xf32>
    %and3A_97 = arith.constant -65536 : i32
    %and3A_98 = vector.broadcast %and3A_97 : i32 to vector<200x128xi32>
    %and3A_99 = arith.andi %get3A_92, %and3A_98 : vector<200x128xi32>
    %bitcast_convert_type3A_100 = tpu.bitcast %and3A_99 : vector<200x128xi32> -> vector<200x128xf32>
    %convert_element_type3A_101 = arith.truncf %bitcast_convert_type3A_96 : vector<200x128xf32> to vector<200x128xbf16>
    %convert_element_type3A_102 = arith.truncf %bitcast_convert_type3A_100 : vector<200x128xf32> to vector<200x128xbf16>
    %mul3A_103 = arith.mulf %convert_element_type3A_101, %slice3A : vector<200x128xbf16>
    %mul3A_104 = arith.mulf %convert_element_type3A_102, %slice3A_17 : vector<200x128xbf16>
    %add3A_105 = arith.addf %mul3A_103, %mul3A_104 : vector<200x128xbf16>
    %mul3A_106 = arith.mulf %convert_element_type3A_101, %slice3A_18 : vector<200x128xbf16>
    %mul3A_107 = arith.mulf %convert_element_type3A_102, %slice3A_19 : vector<200x128xbf16>
    %add3A_108 = arith.addf %mul3A_106, %mul3A_107 : vector<200x128xbf16>
    %mul3A_109 = arith.mulf %convert_element_type3A_101, %slice3A_20 : vector<200x128xbf16>
    %mul3A_110 = arith.mulf %convert_element_type3A_102, %slice3A_21 : vector<200x128xbf16>
    %add3A_111 = arith.addf %mul3A_109, %mul3A_110 : vector<200x128xbf16>
    %get3A_112 = arith.constant 4 : index
    %get3A_113 = arith.constant 0 : index
    %get3A_114 = arith.constant 0 : index
    %get3A_115 = vector.load %arg1[%get3A_112, %get3A_113, %get3A_114] : memref<16x200x128xi32, #tpu.memory_space<vmem>>, vector<1x200x128xi32>
    %get3A_116 = vector.shape_cast %get3A_115 : vector<1x200x128xi32> to vector<200x128xi32>
    %shift_left3A_117 = arith.constant 16 : i32
    %shift_left3A_118 = vector.broadcast %shift_left3A_117 : i32 to vector<200x128xi32>
    %shift_left3A_119 = arith.shli %get3A_116, %shift_left3A_118 : vector<200x128xi32>
    %bitcast_convert_type3A_120 = tpu.bitcast %shift_left3A_119 : vector<200x128xi32> -> vector<200x128xf32>
    %and3A_121 = arith.constant -65536 : i32
    %and3A_122 = vector.broadcast %and3A_121 : i32 to vector<200x128xi32>
    %and3A_123 = arith.andi %get3A_116, %and3A_122 : vector<200x128xi32>
    %bitcast_convert_type3A_124 = tpu.bitcast %and3A_123 : vector<200x128xi32> -> vector<200x128xf32>
    %convert_element_type3A_125 = arith.truncf %bitcast_convert_type3A_120 : vector<200x128xf32> to vector<200x128xbf16>
    %convert_element_type3A_126 = arith.truncf %bitcast_convert_type3A_124 : vector<200x128xf32> to vector<200x128xbf16>
    %mul3A_127 = arith.mulf %convert_element_type3A_125, %slice3A : vector<200x128xbf16>
    %mul3A_128 = arith.mulf %convert_element_type3A_126, %slice3A_17 : vector<200x128xbf16>
    %add3A_129 = arith.addf %mul3A_127, %mul3A_128 : vector<200x128xbf16>
    %mul3A_130 = arith.mulf %convert_element_type3A_125, %slice3A_18 : vector<200x128xbf16>
    %mul3A_131 = arith.mulf %convert_element_type3A_126, %slice3A_19 : vector<200x128xbf16>
    %add3A_132 = arith.addf %mul3A_130, %mul3A_131 : vector<200x128xbf16>
    %mul3A_133 = arith.mulf %convert_element_type3A_125, %slice3A_20 : vector<200x128xbf16>
    %mul3A_134 = arith.mulf %convert_element_type3A_126, %slice3A_21 : vector<200x128xbf16>
    %add3A_135 = arith.addf %mul3A_133, %mul3A_134 : vector<200x128xbf16>
    %get3A_136 = arith.constant 5 : index
    %get3A_137 = arith.constant 0 : index
    %get3A_138 = arith.constant 0 : index
    %get3A_139 = vector.load %arg1[%get3A_136, %get3A_137, %get3A_138] : memref<16x200x128xi32, #tpu.memory_space<vmem>>, vector<1x200x128xi32>
    %get3A_140 = vector.shape_cast %get3A_139 : vector<1x200x128xi32> to vector<200x128xi32>
    %shift_left3A_141 = arith.constant 16 : i32
    %shift_left3A_142 = vector.broadcast %shift_left3A_141 : i32 to vector<200x128xi32>
    %shift_left3A_143 = arith.shli %get3A_140, %shift_left3A_142 : vector<200x128xi32>
    %bitcast_convert_type3A_144 = tpu.bitcast %shift_left3A_143 : vector<200x128xi32> -> vector<200x128xf32>
    %and3A_145 = arith.constant -65536 : i32
    %and3A_146 = vector.broadcast %and3A_145 : i32 to vector<200x128xi32>
    %and3A_147 = arith.andi %get3A_140, %and3A_146 : vector<200x128xi32>
    %bitcast_convert_type3A_148 = tpu.bitcast %and3A_147 : vector<200x128xi32> -> vector<200x128xf32>
    %convert_element_type3A_149 = arith.truncf %bitcast_convert_type3A_144 : vector<200x128xf32> to vector<200x128xbf16>
    %convert_element_type3A_150 = arith.truncf %bitcast_convert_type3A_148 : vector<200x128xf32> to vector<200x128xbf16>
    %mul3A_151 = arith.mulf %convert_element_type3A_149, %slice3A : vector<200x128xbf16>
    %mul3A_152 = arith.mulf %convert_element_type3A_150, %slice3A_17 : vector<200x128xbf16>
    %add3A_153 = arith.addf %mul3A_151, %mul3A_152 : vector<200x128xbf16>
    %mul3A_154 = arith.mulf %convert_element_type3A_149, %slice3A_18 : vector<200x128xbf16>
    %mul3A_155 = arith.mulf %convert_element_type3A_150, %slice3A_19 : vector<200x128xbf16>
    %add3A_156 = arith.addf %mul3A_154, %mul3A_155 : vector<200x128xbf16>
    %mul3A_157 = arith.mulf %convert_element_type3A_149, %slice3A_20 : vector<200x128xbf16>
    %mul3A_158 = arith.mulf %convert_element_type3A_150, %slice3A_21 : vector<200x128xbf16>
    %add3A_159 = arith.addf %mul3A_157, %mul3A_158 : vector<200x128xbf16>
    %get3A_160 = arith.constant 6 : index
    %get3A_161 = arith.constant 0 : index
    %get3A_162 = arith.constant 0 : index
    %get3A_163 = vector.load %arg1[%get3A_160, %get3A_161, %get3A_162] : memref<16x200x128xi32, #tpu.memory_space<vmem>>, vector<1x200x128xi32>
    %get3A_164 = vector.shape_cast %get3A_163 : vector<1x200x128xi32> to vector<200x128xi32>
    %shift_left3A_165 = arith.constant 16 : i32
    %shift_left3A_166 = vector.broadcast %shift_left3A_165 : i32 to vector<200x128xi32>
    %shift_left3A_167 = arith.shli %get3A_164, %shift_left3A_166 : vector<200x128xi32>
    %bitcast_convert_type3A_168 = tpu.bitcast %shift_left3A_167 : vector<200x128xi32> -> vector<200x128xf32>
    %and3A_169 = arith.constant -65536 : i32
    %and3A_170 = vector.broadcast %and3A_169 : i32 to vector<200x128xi32>
    %and3A_171 = arith.andi %get3A_164, %and3A_170 : vector<200x128xi32>
    %bitcast_convert_type3A_172 = tpu.bitcast %and3A_171 : vector<200x128xi32> -> vector<200x128xf32>
    %convert_element_type3A_173 = arith.truncf %bitcast_convert_type3A_168 : vector<200x128xf32> to vector<200x128xbf16>
    %convert_element_type3A_174 = arith.truncf %bitcast_convert_type3A_172 : vector<200x128xf32> to vector<200x128xbf16>
    %mul3A_175 = arith.mulf %convert_element_type3A_173, %slice3A : vector<200x128xbf16>
    %mul3A_176 = arith.mulf %convert_element_type3A_174, %slice3A_17 : vector<200x128xbf16>
    %add3A_177 = arith.addf %mul3A_175, %mul3A_176 : vector<200x128xbf16>
    %mul3A_178 = arith.mulf %convert_element_type3A_173, %slice3A_18 : vector<200x128xbf16>
    %mul3A_179 = arith.mulf %convert_element_type3A_174, %slice3A_19 : vector<200x128xbf16>
    %add3A_180 = arith.addf %mul3A_178, %mul3A_179 : vector<200x128xbf16>
    %mul3A_181 = arith.mulf %convert_element_type3A_173, %slice3A_20 : vector<200x128xbf16>
    %mul3A_182 = arith.mulf %convert_element_type3A_174, %slice3A_21 : vector<200x128xbf16>
    %add3A_183 = arith.addf %mul3A_181, %mul3A_182 : vector<200x128xbf16>
    %get3A_184 = arith.constant 7 : index
    %get3A_185 = arith.constant 0 : index
    %get3A_186 = arith.constant 0 : index
    %get3A_187 = vector.load %arg1[%get3A_184, %get3A_185, %get3A_186] : memref<16x200x128xi32, #tpu.memory_space<vmem>>, vector<1x200x128xi32>
    %get3A_188 = vector.shape_cast %get3A_187 : vector<1x200x128xi32> to vector<200x128xi32>
    %shift_left3A_189 = arith.constant 16 : i32
    %shift_left3A_190 = vector.broadcast %shift_left3A_189 : i32 to vector<200x128xi32>
    %shift_left3A_191 = arith.shli %get3A_188, %shift_left3A_190 : vector<200x128xi32>
    %bitcast_convert_type3A_192 = tpu.bitcast %shift_left3A_191 : vector<200x128xi32> -> vector<200x128xf32>
    %and3A_193 = arith.constant -65536 : i32
    %and3A_194 = vector.broadcast %and3A_193 : i32 to vector<200x128xi32>
    %and3A_195 = arith.andi %get3A_188, %and3A_194 : vector<200x128xi32>
    %bitcast_convert_type3A_196 = tpu.bitcast %and3A_195 : vector<200x128xi32> -> vector<200x128xf32>
    %convert_element_type3A_197 = arith.truncf %bitcast_convert_type3A_192 : vector<200x128xf32> to vector<200x128xbf16>
    %convert_element_type3A_198 = arith.truncf %bitcast_convert_type3A_196 : vector<200x128xf32> to vector<200x128xbf16>
    %mul3A_199 = arith.mulf %convert_element_type3A_197, %slice3A : vector<200x128xbf16>
    %mul3A_200 = arith.mulf %convert_element_type3A_198, %slice3A_17 : vector<200x128xbf16>
    %add3A_201 = arith.addf %mul3A_199, %mul3A_200 : vector<200x128xbf16>
    %mul3A_202 = arith.mulf %convert_element_type3A_197, %slice3A_18 : vector<200x128xbf16>
    %mul3A_203 = arith.mulf %convert_element_type3A_198, %slice3A_19 : vector<200x128xbf16>
    %add3A_204 = arith.addf %mul3A_202, %mul3A_203 : vector<200x128xbf16>
    %mul3A_205 = arith.mulf %convert_element_type3A_197, %slice3A_20 : vector<200x128xbf16>
    %mul3A_206 = arith.mulf %convert_element_type3A_198, %slice3A_21 : vector<200x128xbf16>
    %add3A_207 = arith.addf %mul3A_205, %mul3A_206 : vector<200x128xbf16>
    %get3A_208 = arith.constant 8 : index
    %get3A_209 = arith.constant 0 : index
    %get3A_210 = arith.constant 0 : index
    %get3A_211 = vector.load %arg1[%get3A_208, %get3A_209, %get3A_210] : memref<16x200x128xi32, #tpu.memory_space<vmem>>, vector<1x200x128xi32>
    %get3A_212 = vector.shape_cast %get3A_211 : vector<1x200x128xi32> to vector<200x128xi32>
    %shift_left3A_213 = arith.constant 16 : i32
    %shift_left3A_214 = vector.broadcast %shift_left3A_213 : i32 to vector<200x128xi32>
    %shift_left3A_215 = arith.shli %get3A_212, %shift_left3A_214 : vector<200x128xi32>
    %bitcast_convert_type3A_216 = tpu.bitcast %shift_left3A_215 : vector<200x128xi32> -> vector<200x128xf32>
    %and3A_217 = arith.constant -65536 : i32
    %and3A_218 = vector.broadcast %and3A_217 : i32 to vector<200x128xi32>
    %and3A_219 = arith.andi %get3A_212, %and3A_218 : vector<200x128xi32>
    %bitcast_convert_type3A_220 = tpu.bitcast %and3A_219 : vector<200x128xi32> -> vector<200x128xf32>
    %convert_element_type3A_221 = arith.truncf %bitcast_convert_type3A_216 : vector<200x128xf32> to vector<200x128xbf16>
    %convert_element_type3A_222 = arith.truncf %bitcast_convert_type3A_220 : vector<200x128xf32> to vector<200x128xbf16>
    %mul3A_223 = arith.mulf %convert_element_type3A_221, %slice3A : vector<200x128xbf16>
    %mul3A_224 = arith.mulf %convert_element_type3A_222, %slice3A_17 : vector<200x128xbf16>
    %add3A_225 = arith.addf %mul3A_223, %mul3A_224 : vector<200x128xbf16>
    %mul3A_226 = arith.mulf %convert_element_type3A_221, %slice3A_18 : vector<200x128xbf16>
    %mul3A_227 = arith.mulf %convert_element_type3A_222, %slice3A_19 : vector<200x128xbf16>
    %add3A_228 = arith.addf %mul3A_226, %mul3A_227 : vector<200x128xbf16>
    %mul3A_229 = arith.mulf %convert_element_type3A_221, %slice3A_20 : vector<200x128xbf16>
    %mul3A_230 = arith.mulf %convert_element_type3A_222, %slice3A_21 : vector<200x128xbf16>
    %add3A_231 = arith.addf %mul3A_229, %mul3A_230 : vector<200x128xbf16>
    %get3A_232 = arith.constant 9 : index
    %get3A_233 = arith.constant 0 : index
    %get3A_234 = arith.constant 0 : index
    %get3A_235 = vector.load %arg1[%get3A_232, %get3A_233, %get3A_234] : memref<16x200x128xi32, #tpu.memory_space<vmem>>, vector<1x200x128xi32>
    %get3A_236 = vector.shape_cast %get3A_235 : vector<1x200x128xi32> to vector<200x128xi32>
    %shift_left3A_237 = arith.constant 16 : i32
    %shift_left3A_238 = vector.broadcast %shift_left3A_237 : i32 to vector<200x128xi32>
    %shift_left3A_239 = arith.shli %get3A_236, %shift_left3A_238 : vector<200x128xi32>
    %bitcast_convert_type3A_240 = tpu.bitcast %shift_left3A_239 : vector<200x128xi32> -> vector<200x128xf32>
    %and3A_241 = arith.constant -65536 : i32
    %and3A_242 = vector.broadcast %and3A_241 : i32 to vector<200x128xi32>
    %and3A_243 = arith.andi %get3A_236, %and3A_242 : vector<200x128xi32>
    %bitcast_convert_type3A_244 = tpu.bitcast %and3A_243 : vector<200x128xi32> -> vector<200x128xf32>
    %convert_element_type3A_245 = arith.truncf %bitcast_convert_type3A_240 : vector<200x128xf32> to vector<200x128xbf16>
    %convert_element_type3A_246 = arith.truncf %bitcast_convert_type3A_244 : vector<200x128xf32> to vector<200x128xbf16>
    %mul3A_247 = arith.mulf %convert_element_type3A_245, %slice3A : vector<200x128xbf16>
    %mul3A_248 = arith.mulf %convert_element_type3A_246, %slice3A_17 : vector<200x128xbf16>
    %add3A_249 = arith.addf %mul3A_247, %mul3A_248 : vector<200x128xbf16>
    %mul3A_250 = arith.mulf %convert_element_type3A_245, %slice3A_18 : vector<200x128xbf16>
    %mul3A_251 = arith.mulf %convert_element_type3A_246, %slice3A_19 : vector<200x128xbf16>
    %add3A_252 = arith.addf %mul3A_250, %mul3A_251 : vector<200x128xbf16>
    %mul3A_253 = arith.mulf %convert_element_type3A_245, %slice3A_20 : vector<200x128xbf16>
    %mul3A_254 = arith.mulf %convert_element_type3A_246, %slice3A_21 : vector<200x128xbf16>
    %add3A_255 = arith.addf %mul3A_253, %mul3A_254 : vector<200x128xbf16>
    %get3A_256 = arith.constant 10 : index
    %get3A_257 = arith.constant 0 : index
    %get3A_258 = arith.constant 0 : index
    %get3A_259 = vector.load %arg1[%get3A_256, %get3A_257, %get3A_258] : memref<16x200x128xi32, #tpu.memory_space<vmem>>, vector<1x200x128xi32>
    %get3A_260 = vector.shape_cast %get3A_259 : vector<1x200x128xi32> to vector<200x128xi32>
    %shift_left3A_261 = arith.constant 16 : i32
    %shift_left3A_262 = vector.broadcast %shift_left3A_261 : i32 to vector<200x128xi32>
    %shift_left3A_263 = arith.shli %get3A_260, %shift_left3A_262 : vector<200x128xi32>
    %bitcast_convert_type3A_264 = tpu.bitcast %shift_left3A_263 : vector<200x128xi32> -> vector<200x128xf32>
    %and3A_265 = arith.constant -65536 : i32
    %and3A_266 = vector.broadcast %and3A_265 : i32 to vector<200x128xi32>
    %and3A_267 = arith.andi %get3A_260, %and3A_266 : vector<200x128xi32>
    %bitcast_convert_type3A_268 = tpu.bitcast %and3A_267 : vector<200x128xi32> -> vector<200x128xf32>
    %convert_element_type3A_269 = arith.truncf %bitcast_convert_type3A_264 : vector<200x128xf32> to vector<200x128xbf16>
    %convert_element_type3A_270 = arith.truncf %bitcast_convert_type3A_268 : vector<200x128xf32> to vector<200x128xbf16>
    %mul3A_271 = arith.mulf %convert_element_type3A_269, %slice3A : vector<200x128xbf16>
    %mul3A_272 = arith.mulf %convert_element_type3A_270, %slice3A_17 : vector<200x128xbf16>
    %add3A_273 = arith.addf %mul3A_271, %mul3A_272 : vector<200x128xbf16>
    %mul3A_274 = arith.mulf %convert_element_type3A_269, %slice3A_18 : vector<200x128xbf16>
    %mul3A_275 = arith.mulf %convert_element_type3A_270, %slice3A_19 : vector<200x128xbf16>
    %add3A_276 = arith.addf %mul3A_274, %mul3A_275 : vector<200x128xbf16>
    %mul3A_277 = arith.mulf %convert_element_type3A_269, %slice3A_20 : vector<200x128xbf16>
    %mul3A_278 = arith.mulf %convert_element_type3A_270, %slice3A_21 : vector<200x128xbf16>
    %add3A_279 = arith.addf %mul3A_277, %mul3A_278 : vector<200x128xbf16>
    %get3A_280 = arith.constant 11 : index
    %get3A_281 = arith.constant 0 : index
    %get3A_282 = arith.constant 0 : index
    %get3A_283 = vector.load %arg1[%get3A_280, %get3A_281, %get3A_282] : memref<16x200x128xi32, #tpu.memory_space<vmem>>, vector<1x200x128xi32>
    %get3A_284 = vector.shape_cast %get3A_283 : vector<1x200x128xi32> to vector<200x128xi32>
    %shift_left3A_285 = arith.constant 16 : i32
    %shift_left3A_286 = vector.broadcast %shift_left3A_285 : i32 to vector<200x128xi32>
    %shift_left3A_287 = arith.shli %get3A_284, %shift_left3A_286 : vector<200x128xi32>
    %bitcast_convert_type3A_288 = tpu.bitcast %shift_left3A_287 : vector<200x128xi32> -> vector<200x128xf32>
    %and3A_289 = arith.constant -65536 : i32
    %and3A_290 = vector.broadcast %and3A_289 : i32 to vector<200x128xi32>
    %and3A_291 = arith.andi %get3A_284, %and3A_290 : vector<200x128xi32>
    %bitcast_convert_type3A_292 = tpu.bitcast %and3A_291 : vector<200x128xi32> -> vector<200x128xf32>
    %convert_element_type3A_293 = arith.truncf %bitcast_convert_type3A_288 : vector<200x128xf32> to vector<200x128xbf16>
    %convert_element_type3A_294 = arith.truncf %bitcast_convert_type3A_292 : vector<200x128xf32> to vector<200x128xbf16>
    %mul3A_295 = arith.mulf %convert_element_type3A_293, %slice3A : vector<200x128xbf16>
    %mul3A_296 = arith.mulf %convert_element_type3A_294, %slice3A_17 : vector<200x128xbf16>
    %add3A_297 = arith.addf %mul3A_295, %mul3A_296 : vector<200x128xbf16>
    %mul3A_298 = arith.mulf %convert_element_type3A_293, %slice3A_18 : vector<200x128xbf16>
    %mul3A_299 = arith.mulf %convert_element_type3A_294, %slice3A_19 : vector<200x128xbf16>
    %add3A_300 = arith.addf %mul3A_298, %mul3A_299 : vector<200x128xbf16>
    %mul3A_301 = arith.mulf %convert_element_type3A_293, %slice3A_20 : vector<200x128xbf16>
    %mul3A_302 = arith.mulf %convert_element_type3A_294, %slice3A_21 : vector<200x128xbf16>
    %add3A_303 = arith.addf %mul3A_301, %mul3A_302 : vector<200x128xbf16>
    %get3A_304 = arith.constant 12 : index
    %get3A_305 = arith.constant 0 : index
    %get3A_306 = arith.constant 0 : index
    %get3A_307 = vector.load %arg1[%get3A_304, %get3A_305, %get3A_306] : memref<16x200x128xi32, #tpu.memory_space<vmem>>, vector<1x200x128xi32>
    %get3A_308 = vector.shape_cast %get3A_307 : vector<1x200x128xi32> to vector<200x128xi32>
    %shift_left3A_309 = arith.constant 16 : i32
    %shift_left3A_310 = vector.broadcast %shift_left3A_309 : i32 to vector<200x128xi32>
    %shift_left3A_311 = arith.shli %get3A_308, %shift_left3A_310 : vector<200x128xi32>
    %bitcast_convert_type3A_312 = tpu.bitcast %shift_left3A_311 : vector<200x128xi32> -> vector<200x128xf32>
    %and3A_313 = arith.constant -65536 : i32
    %and3A_314 = vector.broadcast %and3A_313 : i32 to vector<200x128xi32>
    %and3A_315 = arith.andi %get3A_308, %and3A_314 : vector<200x128xi32>
    %bitcast_convert_type3A_316 = tpu.bitcast %and3A_315 : vector<200x128xi32> -> vector<200x128xf32>
    %convert_element_type3A_317 = arith.truncf %bitcast_convert_type3A_312 : vector<200x128xf32> to vector<200x128xbf16>
    %convert_element_type3A_318 = arith.truncf %bitcast_convert_type3A_316 : vector<200x128xf32> to vector<200x128xbf16>
    %mul3A_319 = arith.mulf %convert_element_type3A_317, %slice3A : vector<200x128xbf16>
    %mul3A_320 = arith.mulf %convert_element_type3A_318, %slice3A_17 : vector<200x128xbf16>
    %add3A_321 = arith.addf %mul3A_319, %mul3A_320 : vector<200x128xbf16>
    %mul3A_322 = arith.mulf %convert_element_type3A_317, %slice3A_18 : vector<200x128xbf16>
    %mul3A_323 = arith.mulf %convert_element_type3A_318, %slice3A_19 : vector<200x128xbf16>
    %add3A_324 = arith.addf %mul3A_322, %mul3A_323 : vector<200x128xbf16>
    %mul3A_325 = arith.mulf %convert_element_type3A_317, %slice3A_20 : vector<200x128xbf16>
    %mul3A_326 = arith.mulf %convert_element_type3A_318, %slice3A_21 : vector<200x128xbf16>
    %add3A_327 = arith.addf %mul3A_325, %mul3A_326 : vector<200x128xbf16>
    %get3A_328 = arith.constant 13 : index
    %get3A_329 = arith.constant 0 : index
    %get3A_330 = arith.constant 0 : index
    %get3A_331 = vector.load %arg1[%get3A_328, %get3A_329, %get3A_330] : memref<16x200x128xi32, #tpu.memory_space<vmem>>, vector<1x200x128xi32>
    %get3A_332 = vector.shape_cast %get3A_331 : vector<1x200x128xi32> to vector<200x128xi32>
    %shift_left3A_333 = arith.constant 16 : i32
    %shift_left3A_334 = vector.broadcast %shift_left3A_333 : i32 to vector<200x128xi32>
    %shift_left3A_335 = arith.shli %get3A_332, %shift_left3A_334 : vector<200x128xi32>
    %bitcast_convert_type3A_336 = tpu.bitcast %shift_left3A_335 : vector<200x128xi32> -> vector<200x128xf32>
    %and3A_337 = arith.constant -65536 : i32
    %and3A_338 = vector.broadcast %and3A_337 : i32 to vector<200x128xi32>
    %and3A_339 = arith.andi %get3A_332, %and3A_338 : vector<200x128xi32>
    %bitcast_convert_type3A_340 = tpu.bitcast %and3A_339 : vector<200x128xi32> -> vector<200x128xf32>
    %convert_element_type3A_341 = arith.truncf %bitcast_convert_type3A_336 : vector<200x128xf32> to vector<200x128xbf16>
    %convert_element_type3A_342 = arith.truncf %bitcast_convert_type3A_340 : vector<200x128xf32> to vector<200x128xbf16>
    %mul3A_343 = arith.mulf %convert_element_type3A_341, %slice3A : vector<200x128xbf16>
    %mul3A_344 = arith.mulf %convert_element_type3A_342, %slice3A_17 : vector<200x128xbf16>
    %add3A_345 = arith.addf %mul3A_343, %mul3A_344 : vector<200x128xbf16>
    %mul3A_346 = arith.mulf %convert_element_type3A_341, %slice3A_18 : vector<200x128xbf16>
    %mul3A_347 = arith.mulf %convert_element_type3A_342, %slice3A_19 : vector<200x128xbf16>
    %add3A_348 = arith.addf %mul3A_346, %mul3A_347 : vector<200x128xbf16>
    %mul3A_349 = arith.mulf %convert_element_type3A_341, %slice3A_20 : vector<200x128xbf16>
    %mul3A_350 = arith.mulf %convert_element_type3A_342, %slice3A_21 : vector<200x128xbf16>
    %add3A_351 = arith.addf %mul3A_349, %mul3A_350 : vector<200x128xbf16>
    %get3A_352 = arith.constant 14 : index
    %get3A_353 = arith.constant 0 : index
    %get3A_354 = arith.constant 0 : index
    %get3A_355 = vector.load %arg1[%get3A_352, %get3A_353, %get3A_354] : memref<16x200x128xi32, #tpu.memory_space<vmem>>, vector<1x200x128xi32>
    %get3A_356 = vector.shape_cast %get3A_355 : vector<1x200x128xi32> to vector<200x128xi32>
    %shift_left3A_357 = arith.constant 16 : i32
    %shift_left3A_358 = vector.broadcast %shift_left3A_357 : i32 to vector<200x128xi32>
    %shift_left3A_359 = arith.shli %get3A_356, %shift_left3A_358 : vector<200x128xi32>
    %bitcast_convert_type3A_360 = tpu.bitcast %shift_left3A_359 : vector<200x128xi32> -> vector<200x128xf32>
    %and3A_361 = arith.constant -65536 : i32
    %and3A_362 = vector.broadcast %and3A_361 : i32 to vector<200x128xi32>
    %and3A_363 = arith.andi %get3A_356, %and3A_362 : vector<200x128xi32>
    %bitcast_convert_type3A_364 = tpu.bitcast %and3A_363 : vector<200x128xi32> -> vector<200x128xf32>
    %convert_element_type3A_365 = arith.truncf %bitcast_convert_type3A_360 : vector<200x128xf32> to vector<200x128xbf16>
    %convert_element_type3A_366 = arith.truncf %bitcast_convert_type3A_364 : vector<200x128xf32> to vector<200x128xbf16>
    %mul3A_367 = arith.mulf %convert_element_type3A_365, %slice3A : vector<200x128xbf16>
    %mul3A_368 = arith.mulf %convert_element_type3A_366, %slice3A_17 : vector<200x128xbf16>
    %add3A_369 = arith.addf %mul3A_367, %mul3A_368 : vector<200x128xbf16>
    %mul3A_370 = arith.mulf %convert_element_type3A_365, %slice3A_18 : vector<200x128xbf16>
    %mul3A_371 = arith.mulf %convert_element_type3A_366, %slice3A_19 : vector<200x128xbf16>
    %add3A_372 = arith.addf %mul3A_370, %mul3A_371 : vector<200x128xbf16>
    %mul3A_373 = arith.mulf %convert_element_type3A_365, %slice3A_20 : vector<200x128xbf16>
    %mul3A_374 = arith.mulf %convert_element_type3A_366, %slice3A_21 : vector<200x128xbf16>
    %add3A_375 = arith.addf %mul3A_373, %mul3A_374 : vector<200x128xbf16>
    %get3A_376 = arith.constant 15 : index
    %get3A_377 = arith.constant 0 : index
    %get3A_378 = arith.constant 0 : index
    %get3A_379 = vector.load %arg1[%get3A_376, %get3A_377, %get3A_378] : memref<16x200x128xi32, #tpu.memory_space<vmem>>, vector<1x200x128xi32>
    %get3A_380 = vector.shape_cast %get3A_379 : vector<1x200x128xi32> to vector<200x128xi32>
    %shift_left3A_381 = arith.constant 16 : i32
    %shift_left3A_382 = vector.broadcast %shift_left3A_381 : i32 to vector<200x128xi32>
    %shift_left3A_383 = arith.shli %get3A_380, %shift_left3A_382 : vector<200x128xi32>
    %bitcast_convert_type3A_384 = tpu.bitcast %shift_left3A_383 : vector<200x128xi32> -> vector<200x128xf32>
    %and3A_385 = arith.constant -65536 : i32
    %and3A_386 = vector.broadcast %and3A_385 : i32 to vector<200x128xi32>
    %and3A_387 = arith.andi %get3A_380, %and3A_386 : vector<200x128xi32>
    %bitcast_convert_type3A_388 = tpu.bitcast %and3A_387 : vector<200x128xi32> -> vector<200x128xf32>
    %convert_element_type3A_389 = arith.truncf %bitcast_convert_type3A_384 : vector<200x128xf32> to vector<200x128xbf16>
    %convert_element_type3A_390 = arith.truncf %bitcast_convert_type3A_388 : vector<200x128xf32> to vector<200x128xbf16>
    %mul3A_391 = arith.mulf %convert_element_type3A_389, %slice3A : vector<200x128xbf16>
    %mul3A_392 = arith.mulf %convert_element_type3A_390, %slice3A_17 : vector<200x128xbf16>
    %add3A_393 = arith.addf %mul3A_391, %mul3A_392 : vector<200x128xbf16>
    %mul3A_394 = arith.mulf %convert_element_type3A_389, %slice3A_18 : vector<200x128xbf16>
    %mul3A_395 = arith.mulf %convert_element_type3A_390, %slice3A_19 : vector<200x128xbf16>
    %add3A_396 = arith.addf %mul3A_394, %mul3A_395 : vector<200x128xbf16>
    %mul3A_397 = arith.mulf %convert_element_type3A_389, %slice3A_20 : vector<200x128xbf16>
    %mul3A_398 = arith.mulf %convert_element_type3A_390, %slice3A_21 : vector<200x128xbf16>
    %add3A_399 = arith.addf %mul3A_397, %mul3A_398 : vector<200x128xbf16>
    %concatenate3A = tpu.concatenate %add3A, %add3A_57, %add3A_81, %add3A_105, %add3A_129, %add3A_153, %add3A_177, %add3A_201, %add3A_225, %add3A_249, %add3A_273, %add3A_297, %add3A_321, %add3A_345, %add3A_369, %add3A_393 in 1 : vector<200x128xbf16>, vector<200x128xbf16>, vector<200x128xbf16>, vector<200x128xbf16>, vector<200x128xbf16>, vector<200x128xbf16>, vector<200x128xbf16>, vector<200x128xbf16>, vector<200x128xbf16>, vector<200x128xbf16>, vector<200x128xbf16>, vector<200x128xbf16>, vector<200x128xbf16>, vector<200x128xbf16>, vector<200x128xbf16>, vector<200x128xbf16> -> vector<200x2048xbf16>
    %dot_general3A = arith.constant dense<0.000000e+00> : vector<200x16xf32>
    %dot_general3A_400 = tpu.matmul %concatenate3A, %get3A_4, %dot_general3A {dimension_numbers = #tpu.dot_dimension_numbers<[1], [0], [0], [1], [0, 0, 1, 1], [], []>, transpose_lhs_hint = false} : vector<200x2048xbf16>, vector<2048x16xbf16>, vector<200x16xf32> -> vector<200x16xf32>
    %reduce_max3A = arith.constant dense<0xFF800000> : vector<200xf32>
    %reduce_max3A_401 = vector.multi_reduction <maximumf>, %dot_general3A_400, %reduce_max3A [1] : vector<200x16xf32> to vector<200xf32>
    %broadcast_in_dim3A = vector.shape_cast %reduce_max3A_401 : vector<200xf32> to vector<200x1xf32>
    %sub3A = vector.broadcast %broadcast_in_dim3A : vector<200x1xf32> to vector<200x16xf32>
    %sub3A_402 = arith.subf %dot_general3A_400, %sub3A : vector<200x16xf32>
    %exp3A = math.exp %sub3A_402 : vector<200x16xf32>
    %slice3A_403 = vector.extract_strided_slice %exp3A {offsets = [0, 0], sizes = [200, 1], strides = [1, 1]} : vector<200x16xf32> to vector<200x1xf32>
    %slice3A_404 = vector.extract_strided_slice %exp3A {offsets = [0, 1], sizes = [200, 1], strides = [1, 1]} : vector<200x16xf32> to vector<200x1xf32>
    %slice3A_405 = vector.extract_strided_slice %exp3A {offsets = [0, 2], sizes = [200, 1], strides = [1, 1]} : vector<200x16xf32> to vector<200x1xf32>
    %slice3A_406 = vector.extract_strided_slice %exp3A {offsets = [0, 3], sizes = [200, 1], strides = [1, 1]} : vector<200x16xf32> to vector<200x1xf32>
    %slice3A_407 = vector.extract_strided_slice %exp3A {offsets = [0, 4], sizes = [200, 1], strides = [1, 1]} : vector<200x16xf32> to vector<200x1xf32>
    %slice3A_408 = vector.extract_strided_slice %exp3A {offsets = [0, 5], sizes = [200, 1], strides = [1, 1]} : vector<200x16xf32> to vector<200x1xf32>
    %slice3A_409 = vector.extract_strided_slice %exp3A {offsets = [0, 6], sizes = [200, 1], strides = [1, 1]} : vector<200x16xf32> to vector<200x1xf32>
    %slice3A_410 = vector.extract_strided_slice %exp3A {offsets = [0, 7], sizes = [200, 1], strides = [1, 1]} : vector<200x16xf32> to vector<200x1xf32>
    %slice3A_411 = vector.extract_strided_slice %exp3A {offsets = [0, 8], sizes = [200, 1], strides = [1, 1]} : vector<200x16xf32> to vector<200x1xf32>
    %slice3A_412 = vector.extract_strided_slice %exp3A {offsets = [0, 9], sizes = [200, 1], strides = [1, 1]} : vector<200x16xf32> to vector<200x1xf32>
    %slice3A_413 = vector.extract_strided_slice %exp3A {offsets = [0, 10], sizes = [200, 1], strides = [1, 1]} : vector<200x16xf32> to vector<200x1xf32>
    %slice3A_414 = vector.extract_strided_slice %exp3A {offsets = [0, 11], sizes = [200, 1], strides = [1, 1]} : vector<200x16xf32> to vector<200x1xf32>
    %slice3A_415 = vector.extract_strided_slice %exp3A {offsets = [0, 12], sizes = [200, 1], strides = [1, 1]} : vector<200x16xf32> to vector<200x1xf32>
    %slice3A_416 = vector.extract_strided_slice %exp3A {offsets = [0, 13], sizes = [200, 1], strides = [1, 1]} : vector<200x16xf32> to vector<200x1xf32>
    %slice3A_417 = vector.extract_strided_slice %exp3A {offsets = [0, 14], sizes = [200, 1], strides = [1, 1]} : vector<200x16xf32> to vector<200x1xf32>
    %slice3A_418 = vector.extract_strided_slice %exp3A {offsets = [0, 15], sizes = [200, 1], strides = [1, 1]} : vector<200x16xf32> to vector<200x1xf32>
    %add3A_419 = arith.addf %slice3A_403, %slice3A_404 : vector<200x1xf32>
    %add3A_420 = arith.addf %slice3A_405, %slice3A_406 : vector<200x1xf32>
    %add3A_421 = arith.addf %slice3A_407, %slice3A_408 : vector<200x1xf32>
    %add3A_422 = arith.addf %slice3A_409, %slice3A_410 : vector<200x1xf32>
    %add3A_423 = arith.addf %slice3A_411, %slice3A_412 : vector<200x1xf32>
    %add3A_424 = arith.addf %slice3A_413, %slice3A_414 : vector<200x1xf32>
    %add3A_425 = arith.addf %slice3A_415, %slice3A_416 : vector<200x1xf32>
    %add3A_426 = arith.addf %slice3A_417, %slice3A_418 : vector<200x1xf32>
    %add3A_427 = arith.addf %add3A_419, %add3A_420 : vector<200x1xf32>
    %add3A_428 = arith.addf %add3A_421, %add3A_422 : vector<200x1xf32>
    %add3A_429 = arith.addf %add3A_423, %add3A_424 : vector<200x1xf32>
    %add3A_430 = arith.addf %add3A_425, %add3A_426 : vector<200x1xf32>
    %add3A_431 = arith.addf %add3A_427, %add3A_428 : vector<200x1xf32>
    %add3A_432 = arith.addf %add3A_429, %add3A_430 : vector<200x1xf32>
    %add3A_433 = arith.addf %add3A_431, %add3A_432 : vector<200x1xf32>
    %div3A = arith.constant 1.000000e+00 : f32
    %div3A_434 = vector.broadcast %div3A : f32 to vector<200x1xf32>
    %div3A_435 = arith.divf %div3A_434, %add3A_433 : vector<200x1xf32>
    %convert_element_type3A_436 = arith.truncf %exp3A : vector<200x16xf32> to vector<200x16xbf16>
    %dot_general3A_437 = arith.constant dense<0.000000e+00> : vector<200x2048xf32>
    %dot_general3A_438 = tpu.matmul %convert_element_type3A_436, %get3A_7, %dot_general3A_437 {dimension_numbers = #tpu.dot_dimension_numbers<[1], [0], [0], [1], [0, 0, 1, 1], [], []>, transpose_lhs_hint = false} : vector<200x16xbf16>, vector<16x2048xbf16>, vector<200x2048xf32> -> vector<200x2048xf32>
    %concatenate3A_439 = tpu.concatenate %add3A_36, %add3A_60, %add3A_84, %add3A_108, %add3A_132, %add3A_156, %add3A_180, %add3A_204, %add3A_228, %add3A_252, %add3A_276, %add3A_300, %add3A_324, %add3A_348, %add3A_372, %add3A_396 in 1 : vector<200x128xbf16>, vector<200x128xbf16>, vector<200x128xbf16>, vector<200x128xbf16>, vector<200x128xbf16>, vector<200x128xbf16>, vector<200x128xbf16>, vector<200x128xbf16>, vector<200x128xbf16>, vector<200x128xbf16>, vector<200x128xbf16>, vector<200x128xbf16>, vector<200x128xbf16>, vector<200x128xbf16>, vector<200x128xbf16>, vector<200x128xbf16> -> vector<200x2048xbf16>
    %dot_general3A_440 = arith.constant dense<0.000000e+00> : vector<200x16xf32>
    %dot_general3A_441 = tpu.matmul %concatenate3A_439, %get3A_4, %dot_general3A_440 {dimension_numbers = #tpu.dot_dimension_numbers<[1], [0], [0], [1], [0, 0, 1, 1], [], []>, transpose_lhs_hint = false} : vector<200x2048xbf16>, vector<2048x16xbf16>, vector<200x16xf32> -> vector<200x16xf32>
    %reduce_max3A_442 = arith.constant dense<0xFF800000> : vector<200xf32>
    %reduce_max3A_443 = vector.multi_reduction <maximumf>, %dot_general3A_441, %reduce_max3A_442 [1] : vector<200x16xf32> to vector<200xf32>
    %broadcast_in_dim3A_444 = vector.shape_cast %reduce_max3A_443 : vector<200xf32> to vector<200x1xf32>
    %sub3A_445 = vector.broadcast %broadcast_in_dim3A_444 : vector<200x1xf32> to vector<200x16xf32>
    %sub3A_446 = arith.subf %dot_general3A_441, %sub3A_445 : vector<200x16xf32>
    %exp3A_447 = math.exp %sub3A_446 : vector<200x16xf32>
    %slice3A_448 = vector.extract_strided_slice %exp3A_447 {offsets = [0, 0], sizes = [200, 1], strides = [1, 1]} : vector<200x16xf32> to vector<200x1xf32>
    %slice3A_449 = vector.extract_strided_slice %exp3A_447 {offsets = [0, 1], sizes = [200, 1], strides = [1, 1]} : vector<200x16xf32> to vector<200x1xf32>
    %slice3A_450 = vector.extract_strided_slice %exp3A_447 {offsets = [0, 2], sizes = [200, 1], strides = [1, 1]} : vector<200x16xf32> to vector<200x1xf32>
    %slice3A_451 = vector.extract_strided_slice %exp3A_447 {offsets = [0, 3], sizes = [200, 1], strides = [1, 1]} : vector<200x16xf32> to vector<200x1xf32>
    %slice3A_452 = vector.extract_strided_slice %exp3A_447 {offsets = [0, 4], sizes = [200, 1], strides = [1, 1]} : vector<200x16xf32> to vector<200x1xf32>
    %slice3A_453 = vector.extract_strided_slice %exp3A_447 {offsets = [0, 5], sizes = [200, 1], strides = [1, 1]} : vector<200x16xf32> to vector<200x1xf32>
    %slice3A_454 = vector.extract_strided_slice %exp3A_447 {offsets = [0, 6], sizes = [200, 1], strides = [1, 1]} : vector<200x16xf32> to vector<200x1xf32>
    %slice3A_455 = vector.extract_strided_slice %exp3A_447 {offsets = [0, 7], sizes = [200, 1], strides = [1, 1]} : vector<200x16xf32> to vector<200x1xf32>
    %slice3A_456 = vector.extract_strided_slice %exp3A_447 {offsets = [0, 8], sizes = [200, 1], strides = [1, 1]} : vector<200x16xf32> to vector<200x1xf32>
    %slice3A_457 = vector.extract_strided_slice %exp3A_447 {offsets = [0, 9], sizes = [200, 1], strides = [1, 1]} : vector<200x16xf32> to vector<200x1xf32>
    %slice3A_458 = vector.extract_strided_slice %exp3A_447 {offsets = [0, 10], sizes = [200, 1], strides = [1, 1]} : vector<200x16xf32> to vector<200x1xf32>
    %slice3A_459 = vector.extract_strided_slice %exp3A_447 {offsets = [0, 11], sizes = [200, 1], strides = [1, 1]} : vector<200x16xf32> to vector<200x1xf32>
    %slice3A_460 = vector.extract_strided_slice %exp3A_447 {offsets = [0, 12], sizes = [200, 1], strides = [1, 1]} : vector<200x16xf32> to vector<200x1xf32>
    %slice3A_461 = vector.extract_strided_slice %exp3A_447 {offsets = [0, 13], sizes = [200, 1], strides = [1, 1]} : vector<200x16xf32> to vector<200x1xf32>
    %slice3A_462 = vector.extract_strided_slice %exp3A_447 {offsets = [0, 14], sizes = [200, 1], strides = [1, 1]} : vector<200x16xf32> to vector<200x1xf32>
    %slice3A_463 = vector.extract_strided_slice %exp3A_447 {offsets = [0, 15], sizes = [200, 1], strides = [1, 1]} : vector<200x16xf32> to vector<200x1xf32>
    %add3A_464 = arith.addf %slice3A_448, %slice3A_449 : vector<200x1xf32>
    %add3A_465 = arith.addf %slice3A_450, %slice3A_451 : vector<200x1xf32>
    %add3A_466 = arith.addf %slice3A_452, %slice3A_453 : vector<200x1xf32>
    %add3A_467 = arith.addf %slice3A_454, %slice3A_455 : vector<200x1xf32>
    %add3A_468 = arith.addf %slice3A_456, %slice3A_457 : vector<200x1xf32>
    %add3A_469 = arith.addf %slice3A_458, %slice3A_459 : vector<200x1xf32>
    %add3A_470 = arith.addf %slice3A_460, %slice3A_461 : vector<200x1xf32>
    %add3A_471 = arith.addf %slice3A_462, %slice3A_463 : vector<200x1xf32>
    %add3A_472 = arith.addf %add3A_464, %add3A_465 : vector<200x1xf32>
    %add3A_473 = arith.addf %add3A_466, %add3A_467 : vector<200x1xf32>
    %add3A_474 = arith.addf %add3A_468, %add3A_469 : vector<200x1xf32>
    %add3A_475 = arith.addf %add3A_470, %add3A_471 : vector<200x1xf32>
    %add3A_476 = arith.addf %add3A_472, %add3A_473 : vector<200x1xf32>
    %add3A_477 = arith.addf %add3A_474, %add3A_475 : vector<200x1xf32>
    %add3A_478 = arith.addf %add3A_476, %add3A_477 : vector<200x1xf32>
    %div3A_479 = arith.constant 1.000000e+00 : f32
    %div3A_480 = vector.broadcast %div3A_479 : f32 to vector<200x1xf32>
    %div3A_481 = arith.divf %div3A_480, %add3A_478 : vector<200x1xf32>
    %convert_element_type3A_482 = arith.truncf %exp3A_447 : vector<200x16xf32> to vector<200x16xbf16>
    %dot_general3A_483 = arith.constant dense<0.000000e+00> : vector<200x2048xf32>
    %dot_general3A_484 = tpu.matmul %convert_element_type3A_482, %get3A_7, %dot_general3A_483 {dimension_numbers = #tpu.dot_dimension_numbers<[1], [0], [0], [1], [0, 0, 1, 1], [], []>, transpose_lhs_hint = false} : vector<200x16xbf16>, vector<16x2048xbf16>, vector<200x2048xf32> -> vector<200x2048xf32>
    %concatenate3A_485 = tpu.concatenate %add3A_39, %add3A_63, %add3A_87, %add3A_111, %add3A_135, %add3A_159, %add3A_183, %add3A_207, %add3A_231, %add3A_255, %add3A_279, %add3A_303, %add3A_327, %add3A_351, %add3A_375, %add3A_399 in 1 : vector<200x128xbf16>, vector<200x128xbf16>, vector<200x128xbf16>, vector<200x128xbf16>, vector<200x128xbf16>, vector<200x128xbf16>, vector<200x128xbf16>, vector<200x128xbf16>, vector<200x128xbf16>, vector<200x128xbf16>, vector<200x128xbf16>, vector<200x128xbf16>, vector<200x128xbf16>, vector<200x128xbf16>, vector<200x128xbf16>, vector<200x128xbf16> -> vector<200x2048xbf16>
    %dot_general3A_486 = arith.constant dense<0.000000e+00> : vector<200x16xf32>
    %dot_general3A_487 = tpu.matmul %concatenate3A_485, %get3A_4, %dot_general3A_486 {dimension_numbers = #tpu.dot_dimension_numbers<[1], [0], [0], [1], [0, 0, 1, 1], [], []>, transpose_lhs_hint = false} : vector<200x2048xbf16>, vector<2048x16xbf16>, vector<200x16xf32> -> vector<200x16xf32>
    %reduce_max3A_488 = arith.constant dense<0xFF800000> : vector<200xf32>
    %reduce_max3A_489 = vector.multi_reduction <maximumf>, %dot_general3A_487, %reduce_max3A_488 [1] : vector<200x16xf32> to vector<200xf32>
    %broadcast_in_dim3A_490 = vector.shape_cast %reduce_max3A_489 : vector<200xf32> to vector<200x1xf32>
    %sub3A_491 = vector.broadcast %broadcast_in_dim3A_490 : vector<200x1xf32> to vector<200x16xf32>
    %sub3A_492 = arith.subf %dot_general3A_487, %sub3A_491 : vector<200x16xf32>
    %exp3A_493 = math.exp %sub3A_492 : vector<200x16xf32>
    %slice3A_494 = vector.extract_strided_slice %exp3A_493 {offsets = [0, 0], sizes = [200, 1], strides = [1, 1]} : vector<200x16xf32> to vector<200x1xf32>
    %slice3A_495 = vector.extract_strided_slice %exp3A_493 {offsets = [0, 1], sizes = [200, 1], strides = [1, 1]} : vector<200x16xf32> to vector<200x1xf32>
    %slice3A_496 = vector.extract_strided_slice %exp3A_493 {offsets = [0, 2], sizes = [200, 1], strides = [1, 1]} : vector<200x16xf32> to vector<200x1xf32>
    %slice3A_497 = vector.extract_strided_slice %exp3A_493 {offsets = [0, 3], sizes = [200, 1], strides = [1, 1]} : vector<200x16xf32> to vector<200x1xf32>
    %slice3A_498 = vector.extract_strided_slice %exp3A_493 {offsets = [0, 4], sizes = [200, 1], strides = [1, 1]} : vector<200x16xf32> to vector<200x1xf32>
    %slice3A_499 = vector.extract_strided_slice %exp3A_493 {offsets = [0, 5], sizes = [200, 1], strides = [1, 1]} : vector<200x16xf32> to vector<200x1xf32>
    %slice3A_500 = vector.extract_strided_slice %exp3A_493 {offsets = [0, 6], sizes = [200, 1], strides = [1, 1]} : vector<200x16xf32> to vector<200x1xf32>
    %slice3A_501 = vector.extract_strided_slice %exp3A_493 {offsets = [0, 7], sizes = [200, 1], strides = [1, 1]} : vector<200x16xf32> to vector<200x1xf32>
    %slice3A_502 = vector.extract_strided_slice %exp3A_493 {offsets = [0, 8], sizes = [200, 1], strides = [1, 1]} : vector<200x16xf32> to vector<200x1xf32>
    %slice3A_503 = vector.extract_strided_slice %exp3A_493 {offsets = [0, 9], sizes = [200, 1], strides = [1, 1]} : vector<200x16xf32> to vector<200x1xf32>
    %slice3A_504 = vector.extract_strided_slice %exp3A_493 {offsets = [0, 10], sizes = [200, 1], strides = [1, 1]} : vector<200x16xf32> to vector<200x1xf32>
    %slice3A_505 = vector.extract_strided_slice %exp3A_493 {offsets = [0, 11], sizes = [200, 1], strides = [1, 1]} : vector<200x16xf32> to vector<200x1xf32>
    %slice3A_506 = vector.extract_strided_slice %exp3A_493 {offsets = [0, 12], sizes = [200, 1], strides = [1, 1]} : vector<200x16xf32> to vector<200x1xf32>
    %slice3A_507 = vector.extract_strided_slice %exp3A_493 {offsets = [0, 13], sizes = [200, 1], strides = [1, 1]} : vector<200x16xf32> to vector<200x1xf32>
    %slice3A_508 = vector.extract_strided_slice %exp3A_493 {offsets = [0, 14], sizes = [200, 1], strides = [1, 1]} : vector<200x16xf32> to vector<200x1xf32>
    %slice3A_509 = vector.extract_strided_slice %exp3A_493 {offsets = [0, 15], sizes = [200, 1], strides = [1, 1]} : vector<200x16xf32> to vector<200x1xf32>
    %add3A_510 = arith.addf %slice3A_494, %slice3A_495 : vector<200x1xf32>
    %add3A_511 = arith.addf %slice3A_496, %slice3A_497 : vector<200x1xf32>
    %add3A_512 = arith.addf %slice3A_498, %slice3A_499 : vector<200x1xf32>
    %add3A_513 = arith.addf %slice3A_500, %slice3A_501 : vector<200x1xf32>
    %add3A_514 = arith.addf %slice3A_502, %slice3A_503 : vector<200x1xf32>
    %add3A_515 = arith.addf %slice3A_504, %slice3A_505 : vector<200x1xf32>
    %add3A_516 = arith.addf %slice3A_506, %slice3A_507 : vector<200x1xf32>
    %add3A_517 = arith.addf %slice3A_508, %slice3A_509 : vector<200x1xf32>
    %add3A_518 = arith.addf %add3A_510, %add3A_511 : vector<200x1xf32>
    %add3A_519 = arith.addf %add3A_512, %add3A_513 : vector<200x1xf32>
    %add3A_520 = arith.addf %add3A_514, %add3A_515 : vector<200x1xf32>
    %add3A_521 = arith.addf %add3A_516, %add3A_517 : vector<200x1xf32>
    %add3A_522 = arith.addf %add3A_518, %add3A_519 : vector<200x1xf32>
    %add3A_523 = arith.addf %add3A_520, %add3A_521 : vector<200x1xf32>
    %add3A_524 = arith.addf %add3A_522, %add3A_523 : vector<200x1xf32>
    %div3A_525 = arith.constant 1.000000e+00 : f32
    %div3A_526 = vector.broadcast %div3A_525 : f32 to vector<200x1xf32>
    %div3A_527 = arith.divf %div3A_526, %add3A_524 : vector<200x1xf32>
    %convert_element_type3A_528 = arith.truncf %exp3A_493 : vector<200x16xf32> to vector<200x16xbf16>
    %dot_general3A_529 = arith.constant dense<0.000000e+00> : vector<200x2048xf32>
    %dot_general3A_530 = tpu.matmul %convert_element_type3A_528, %get3A_7, %dot_general3A_529 {dimension_numbers = #tpu.dot_dimension_numbers<[1], [0], [0], [1], [0, 0, 1, 1], [], []>, transpose_lhs_hint = false} : vector<200x16xbf16>, vector<16x2048xbf16>, vector<200x2048xf32> -> vector<200x2048xf32>
    %slice3A_531 = vector.extract_strided_slice %dot_general3A_438 {offsets = [0, 0], sizes = [200, 128], strides = [1, 1]} : vector<200x2048xf32> to vector<200x128xf32>
    %mul3A_532 = arith.mulf %slice3A_531, %bitcast_convert_type3A : vector<200x128xf32>
    %mul3A_533 = arith.mulf %slice3A_531, %bitcast_convert_type3A_31 : vector<200x128xf32>
    %slice3A_534 = vector.extract_strided_slice %dot_general3A_484 {offsets = [0, 0], sizes = [200, 128], strides = [1, 1]} : vector<200x2048xf32> to vector<200x128xf32>
    %mul3A_535 = arith.mulf %slice3A_534, %bitcast_convert_type3A : vector<200x128xf32>
    %mul3A_536 = arith.mulf %slice3A_534, %bitcast_convert_type3A_31 : vector<200x128xf32>
    %slice3A_537 = vector.extract_strided_slice %dot_general3A_530 {offsets = [0, 0], sizes = [200, 128], strides = [1, 1]} : vector<200x2048xf32> to vector<200x128xf32>
    %mul3A_538 = arith.mulf %slice3A_537, %bitcast_convert_type3A : vector<200x128xf32>
    %mul3A_539 = arith.mulf %slice3A_537, %bitcast_convert_type3A_31 : vector<200x128xf32>
    %slice3A_540 = vector.extract_strided_slice %dot_general3A_438 {offsets = [0, 128], sizes = [200, 128], strides = [1, 1]} : vector<200x2048xf32> to vector<200x128xf32>
    %mul3A_541 = arith.mulf %slice3A_540, %bitcast_convert_type3A_48 : vector<200x128xf32>
    %mul3A_542 = arith.mulf %slice3A_540, %bitcast_convert_type3A_52 : vector<200x128xf32>
    %slice3A_543 = vector.extract_strided_slice %dot_general3A_484 {offsets = [0, 128], sizes = [200, 128], strides = [1, 1]} : vector<200x2048xf32> to vector<200x128xf32>
    %mul3A_544 = arith.mulf %slice3A_543, %bitcast_convert_type3A_48 : vector<200x128xf32>
    %mul3A_545 = arith.mulf %slice3A_543, %bitcast_convert_type3A_52 : vector<200x128xf32>
    %slice3A_546 = vector.extract_strided_slice %dot_general3A_530 {offsets = [0, 128], sizes = [200, 128], strides = [1, 1]} : vector<200x2048xf32> to vector<200x128xf32>
    %mul3A_547 = arith.mulf %slice3A_546, %bitcast_convert_type3A_48 : vector<200x128xf32>
    %mul3A_548 = arith.mulf %slice3A_546, %bitcast_convert_type3A_52 : vector<200x128xf32>
    %slice3A_549 = vector.extract_strided_slice %dot_general3A_438 {offsets = [0, 256], sizes = [200, 128], strides = [1, 1]} : vector<200x2048xf32> to vector<200x128xf32>
    %mul3A_550 = arith.mulf %slice3A_549, %bitcast_convert_type3A_72 : vector<200x128xf32>
    %mul3A_551 = arith.mulf %slice3A_549, %bitcast_convert_type3A_76 : vector<200x128xf32>
    %slice3A_552 = vector.extract_strided_slice %dot_general3A_484 {offsets = [0, 256], sizes = [200, 128], strides = [1, 1]} : vector<200x2048xf32> to vector<200x128xf32>
    %mul3A_553 = arith.mulf %slice3A_552, %bitcast_convert_type3A_72 : vector<200x128xf32>
    %mul3A_554 = arith.mulf %slice3A_552, %bitcast_convert_type3A_76 : vector<200x128xf32>
    %slice3A_555 = vector.extract_strided_slice %dot_general3A_530 {offsets = [0, 256], sizes = [200, 128], strides = [1, 1]} : vector<200x2048xf32> to vector<200x128xf32>
    %mul3A_556 = arith.mulf %slice3A_555, %bitcast_convert_type3A_72 : vector<200x128xf32>
    %mul3A_557 = arith.mulf %slice3A_555, %bitcast_convert_type3A_76 : vector<200x128xf32>
    %slice3A_558 = vector.extract_strided_slice %dot_general3A_438 {offsets = [0, 384], sizes = [200, 128], strides = [1, 1]} : vector<200x2048xf32> to vector<200x128xf32>
    %mul3A_559 = arith.mulf %slice3A_558, %bitcast_convert_type3A_96 : vector<200x128xf32>
    %mul3A_560 = arith.mulf %slice3A_558, %bitcast_convert_type3A_100 : vector<200x128xf32>
    %slice3A_561 = vector.extract_strided_slice %dot_general3A_484 {offsets = [0, 384], sizes = [200, 128], strides = [1, 1]} : vector<200x2048xf32> to vector<200x128xf32>
    %mul3A_562 = arith.mulf %slice3A_561, %bitcast_convert_type3A_96 : vector<200x128xf32>
    %mul3A_563 = arith.mulf %slice3A_561, %bitcast_convert_type3A_100 : vector<200x128xf32>
    %slice3A_564 = vector.extract_strided_slice %dot_general3A_530 {offsets = [0, 384], sizes = [200, 128], strides = [1, 1]} : vector<200x2048xf32> to vector<200x128xf32>
    %mul3A_565 = arith.mulf %slice3A_564, %bitcast_convert_type3A_96 : vector<200x128xf32>
    %mul3A_566 = arith.mulf %slice3A_564, %bitcast_convert_type3A_100 : vector<200x128xf32>
    %slice3A_567 = vector.extract_strided_slice %dot_general3A_438 {offsets = [0, 512], sizes = [200, 128], strides = [1, 1]} : vector<200x2048xf32> to vector<200x128xf32>
    %mul3A_568 = arith.mulf %slice3A_567, %bitcast_convert_type3A_120 : vector<200x128xf32>
    %mul3A_569 = arith.mulf %slice3A_567, %bitcast_convert_type3A_124 : vector<200x128xf32>
    %slice3A_570 = vector.extract_strided_slice %dot_general3A_484 {offsets = [0, 512], sizes = [200, 128], strides = [1, 1]} : vector<200x2048xf32> to vector<200x128xf32>
    %mul3A_571 = arith.mulf %slice3A_570, %bitcast_convert_type3A_120 : vector<200x128xf32>
    %mul3A_572 = arith.mulf %slice3A_570, %bitcast_convert_type3A_124 : vector<200x128xf32>
    %slice3A_573 = vector.extract_strided_slice %dot_general3A_530 {offsets = [0, 512], sizes = [200, 128], strides = [1, 1]} : vector<200x2048xf32> to vector<200x128xf32>
    %mul3A_574 = arith.mulf %slice3A_573, %bitcast_convert_type3A_120 : vector<200x128xf32>
    %mul3A_575 = arith.mulf %slice3A_573, %bitcast_convert_type3A_124 : vector<200x128xf32>
    %slice3A_576 = vector.extract_strided_slice %dot_general3A_438 {offsets = [0, 640], sizes = [200, 128], strides = [1, 1]} : vector<200x2048xf32> to vector<200x128xf32>
    %mul3A_577 = arith.mulf %slice3A_576, %bitcast_convert_type3A_144 : vector<200x128xf32>
    %mul3A_578 = arith.mulf %slice3A_576, %bitcast_convert_type3A_148 : vector<200x128xf32>
    %slice3A_579 = vector.extract_strided_slice %dot_general3A_484 {offsets = [0, 640], sizes = [200, 128], strides = [1, 1]} : vector<200x2048xf32> to vector<200x128xf32>
    %mul3A_580 = arith.mulf %slice3A_579, %bitcast_convert_type3A_144 : vector<200x128xf32>
    %mul3A_581 = arith.mulf %slice3A_579, %bitcast_convert_type3A_148 : vector<200x128xf32>
    %slice3A_582 = vector.extract_strided_slice %dot_general3A_530 {offsets = [0, 640], sizes = [200, 128], strides = [1, 1]} : vector<200x2048xf32> to vector<200x128xf32>
    %mul3A_583 = arith.mulf %slice3A_582, %bitcast_convert_type3A_144 : vector<200x128xf32>
    %mul3A_584 = arith.mulf %slice3A_582, %bitcast_convert_type3A_148 : vector<200x128xf32>
    %slice3A_585 = vector.extract_strided_slice %dot_general3A_438 {offsets = [0, 768], sizes = [200, 128], strides = [1, 1]} : vector<200x2048xf32> to vector<200x128xf32>
    %mul3A_586 = arith.mulf %slice3A_585, %bitcast_convert_type3A_168 : vector<200x128xf32>
    %mul3A_587 = arith.mulf %slice3A_585, %bitcast_convert_type3A_172 : vector<200x128xf32>
    %slice3A_588 = vector.extract_strided_slice %dot_general3A_484 {offsets = [0, 768], sizes = [200, 128], strides = [1, 1]} : vector<200x2048xf32> to vector<200x128xf32>
    %mul3A_589 = arith.mulf %slice3A_588, %bitcast_convert_type3A_168 : vector<200x128xf32>
    %mul3A_590 = arith.mulf %slice3A_588, %bitcast_convert_type3A_172 : vector<200x128xf32>
    %slice3A_591 = vector.extract_strided_slice %dot_general3A_530 {offsets = [0, 768], sizes = [200, 128], strides = [1, 1]} : vector<200x2048xf32> to vector<200x128xf32>
    %mul3A_592 = arith.mulf %slice3A_591, %bitcast_convert_type3A_168 : vector<200x128xf32>
    %mul3A_593 = arith.mulf %slice3A_591, %bitcast_convert_type3A_172 : vector<200x128xf32>
    %slice3A_594 = vector.extract_strided_slice %dot_general3A_438 {offsets = [0, 896], sizes = [200, 128], strides = [1, 1]} : vector<200x2048xf32> to vector<200x128xf32>
    %mul3A_595 = arith.mulf %slice3A_594, %bitcast_convert_type3A_192 : vector<200x128xf32>
    %mul3A_596 = arith.mulf %slice3A_594, %bitcast_convert_type3A_196 : vector<200x128xf32>
    %slice3A_597 = vector.extract_strided_slice %dot_general3A_484 {offsets = [0, 896], sizes = [200, 128], strides = [1, 1]} : vector<200x2048xf32> to vector<200x128xf32>
    %mul3A_598 = arith.mulf %slice3A_597, %bitcast_convert_type3A_192 : vector<200x128xf32>
    %mul3A_599 = arith.mulf %slice3A_597, %bitcast_convert_type3A_196 : vector<200x128xf32>
    %slice3A_600 = vector.extract_strided_slice %dot_general3A_530 {offsets = [0, 896], sizes = [200, 128], strides = [1, 1]} : vector<200x2048xf32> to vector<200x128xf32>
    %mul3A_601 = arith.mulf %slice3A_600, %bitcast_convert_type3A_192 : vector<200x128xf32>
    %mul3A_602 = arith.mulf %slice3A_600, %bitcast_convert_type3A_196 : vector<200x128xf32>
    %slice3A_603 = vector.extract_strided_slice %dot_general3A_438 {offsets = [0, 1024], sizes = [200, 128], strides = [1, 1]} : vector<200x2048xf32> to vector<200x128xf32>
    %mul3A_604 = arith.mulf %slice3A_603, %bitcast_convert_type3A_216 : vector<200x128xf32>
    %mul3A_605 = arith.mulf %slice3A_603, %bitcast_convert_type3A_220 : vector<200x128xf32>
    %slice3A_606 = vector.extract_strided_slice %dot_general3A_484 {offsets = [0, 1024], sizes = [200, 128], strides = [1, 1]} : vector<200x2048xf32> to vector<200x128xf32>
    %mul3A_607 = arith.mulf %slice3A_606, %bitcast_convert_type3A_216 : vector<200x128xf32>
    %mul3A_608 = arith.mulf %slice3A_606, %bitcast_convert_type3A_220 : vector<200x128xf32>
    %slice3A_609 = vector.extract_strided_slice %dot_general3A_530 {offsets = [0, 1024], sizes = [200, 128], strides = [1, 1]} : vector<200x2048xf32> to vector<200x128xf32>
    %mul3A_610 = arith.mulf %slice3A_609, %bitcast_convert_type3A_216 : vector<200x128xf32>
    %mul3A_611 = arith.mulf %slice3A_609, %bitcast_convert_type3A_220 : vector<200x128xf32>
    %slice3A_612 = vector.extract_strided_slice %dot_general3A_438 {offsets = [0, 1152], sizes = [200, 128], strides = [1, 1]} : vector<200x2048xf32> to vector<200x128xf32>
    %mul3A_613 = arith.mulf %slice3A_612, %bitcast_convert_type3A_240 : vector<200x128xf32>
    %mul3A_614 = arith.mulf %slice3A_612, %bitcast_convert_type3A_244 : vector<200x128xf32>
    %slice3A_615 = vector.extract_strided_slice %dot_general3A_484 {offsets = [0, 1152], sizes = [200, 128], strides = [1, 1]} : vector<200x2048xf32> to vector<200x128xf32>
    %mul3A_616 = arith.mulf %slice3A_615, %bitcast_convert_type3A_240 : vector<200x128xf32>
    %mul3A_617 = arith.mulf %slice3A_615, %bitcast_convert_type3A_244 : vector<200x128xf32>
    %slice3A_618 = vector.extract_strided_slice %dot_general3A_530 {offsets = [0, 1152], sizes = [200, 128], strides = [1, 1]} : vector<200x2048xf32> to vector<200x128xf32>
    %mul3A_619 = arith.mulf %slice3A_618, %bitcast_convert_type3A_240 : vector<200x128xf32>
    %mul3A_620 = arith.mulf %slice3A_618, %bitcast_convert_type3A_244 : vector<200x128xf32>
    %slice3A_621 = vector.extract_strided_slice %dot_general3A_438 {offsets = [0, 1280], sizes = [200, 128], strides = [1, 1]} : vector<200x2048xf32> to vector<200x128xf32>
    %mul3A_622 = arith.mulf %slice3A_621, %bitcast_convert_type3A_264 : vector<200x128xf32>
    %mul3A_623 = arith.mulf %slice3A_621, %bitcast_convert_type3A_268 : vector<200x128xf32>
    %slice3A_624 = vector.extract_strided_slice %dot_general3A_484 {offsets = [0, 1280], sizes = [200, 128], strides = [1, 1]} : vector<200x2048xf32> to vector<200x128xf32>
    %mul3A_625 = arith.mulf %slice3A_624, %bitcast_convert_type3A_264 : vector<200x128xf32>
    %mul3A_626 = arith.mulf %slice3A_624, %bitcast_convert_type3A_268 : vector<200x128xf32>
    %slice3A_627 = vector.extract_strided_slice %dot_general3A_530 {offsets = [0, 1280], sizes = [200, 128], strides = [1, 1]} : vector<200x2048xf32> to vector<200x128xf32>
    %mul3A_628 = arith.mulf %slice3A_627, %bitcast_convert_type3A_264 : vector<200x128xf32>
    %mul3A_629 = arith.mulf %slice3A_627, %bitcast_convert_type3A_268 : vector<200x128xf32>
    %slice3A_630 = vector.extract_strided_slice %dot_general3A_438 {offsets = [0, 1408], sizes = [200, 128], strides = [1, 1]} : vector<200x2048xf32> to vector<200x128xf32>
    %mul3A_631 = arith.mulf %slice3A_630, %bitcast_convert_type3A_288 : vector<200x128xf32>
    %mul3A_632 = arith.mulf %slice3A_630, %bitcast_convert_type3A_292 : vector<200x128xf32>
    %slice3A_633 = vector.extract_strided_slice %dot_general3A_484 {offsets = [0, 1408], sizes = [200, 128], strides = [1, 1]} : vector<200x2048xf32> to vector<200x128xf32>
    %mul3A_634 = arith.mulf %slice3A_633, %bitcast_convert_type3A_288 : vector<200x128xf32>
    %mul3A_635 = arith.mulf %slice3A_633, %bitcast_convert_type3A_292 : vector<200x128xf32>
    %slice3A_636 = vector.extract_strided_slice %dot_general3A_530 {offsets = [0, 1408], sizes = [200, 128], strides = [1, 1]} : vector<200x2048xf32> to vector<200x128xf32>
    %mul3A_637 = arith.mulf %slice3A_636, %bitcast_convert_type3A_288 : vector<200x128xf32>
    %mul3A_638 = arith.mulf %slice3A_636, %bitcast_convert_type3A_292 : vector<200x128xf32>
    %slice3A_639 = vector.extract_strided_slice %dot_general3A_438 {offsets = [0, 1536], sizes = [200, 128], strides = [1, 1]} : vector<200x2048xf32> to vector<200x128xf32>
    %mul3A_640 = arith.mulf %slice3A_639, %bitcast_convert_type3A_312 : vector<200x128xf32>
    %mul3A_641 = arith.mulf %slice3A_639, %bitcast_convert_type3A_316 : vector<200x128xf32>
    %slice3A_642 = vector.extract_strided_slice %dot_general3A_484 {offsets = [0, 1536], sizes = [200, 128], strides = [1, 1]} : vector<200x2048xf32> to vector<200x128xf32>
    %mul3A_643 = arith.mulf %slice3A_642, %bitcast_convert_type3A_312 : vector<200x128xf32>
    %mul3A_644 = arith.mulf %slice3A_642, %bitcast_convert_type3A_316 : vector<200x128xf32>
    %slice3A_645 = vector.extract_strided_slice %dot_general3A_530 {offsets = [0, 1536], sizes = [200, 128], strides = [1, 1]} : vector<200x2048xf32> to vector<200x128xf32>
    %mul3A_646 = arith.mulf %slice3A_645, %bitcast_convert_type3A_312 : vector<200x128xf32>
    %mul3A_647 = arith.mulf %slice3A_645, %bitcast_convert_type3A_316 : vector<200x128xf32>
    %slice3A_648 = vector.extract_strided_slice %dot_general3A_438 {offsets = [0, 1664], sizes = [200, 128], strides = [1, 1]} : vector<200x2048xf32> to vector<200x128xf32>
    %mul3A_649 = arith.mulf %slice3A_648, %bitcast_convert_type3A_336 : vector<200x128xf32>
    %mul3A_650 = arith.mulf %slice3A_648, %bitcast_convert_type3A_340 : vector<200x128xf32>
    %slice3A_651 = vector.extract_strided_slice %dot_general3A_484 {offsets = [0, 1664], sizes = [200, 128], strides = [1, 1]} : vector<200x2048xf32> to vector<200x128xf32>
    %mul3A_652 = arith.mulf %slice3A_651, %bitcast_convert_type3A_336 : vector<200x128xf32>
    %mul3A_653 = arith.mulf %slice3A_651, %bitcast_convert_type3A_340 : vector<200x128xf32>
    %slice3A_654 = vector.extract_strided_slice %dot_general3A_530 {offsets = [0, 1664], sizes = [200, 128], strides = [1, 1]} : vector<200x2048xf32> to vector<200x128xf32>
    %mul3A_655 = arith.mulf %slice3A_654, %bitcast_convert_type3A_336 : vector<200x128xf32>
    %mul3A_656 = arith.mulf %slice3A_654, %bitcast_convert_type3A_340 : vector<200x128xf32>
    %slice3A_657 = vector.extract_strided_slice %dot_general3A_438 {offsets = [0, 1792], sizes = [200, 128], strides = [1, 1]} : vector<200x2048xf32> to vector<200x128xf32>
    %mul3A_658 = arith.mulf %slice3A_657, %bitcast_convert_type3A_360 : vector<200x128xf32>
    %mul3A_659 = arith.mulf %slice3A_657, %bitcast_convert_type3A_364 : vector<200x128xf32>
    %slice3A_660 = vector.extract_strided_slice %dot_general3A_484 {offsets = [0, 1792], sizes = [200, 128], strides = [1, 1]} : vector<200x2048xf32> to vector<200x128xf32>
    %mul3A_661 = arith.mulf %slice3A_660, %bitcast_convert_type3A_360 : vector<200x128xf32>
    %mul3A_662 = arith.mulf %slice3A_660, %bitcast_convert_type3A_364 : vector<200x128xf32>
    %slice3A_663 = vector.extract_strided_slice %dot_general3A_530 {offsets = [0, 1792], sizes = [200, 128], strides = [1, 1]} : vector<200x2048xf32> to vector<200x128xf32>
    %mul3A_664 = arith.mulf %slice3A_663, %bitcast_convert_type3A_360 : vector<200x128xf32>
    %mul3A_665 = arith.mulf %slice3A_663, %bitcast_convert_type3A_364 : vector<200x128xf32>
    %slice3A_666 = vector.extract_strided_slice %dot_general3A_438 {offsets = [0, 1920], sizes = [200, 128], strides = [1, 1]} : vector<200x2048xf32> to vector<200x128xf32>
    %mul3A_667 = arith.mulf %slice3A_666, %bitcast_convert_type3A_384 : vector<200x128xf32>
    %mul3A_668 = arith.mulf %slice3A_666, %bitcast_convert_type3A_388 : vector<200x128xf32>
    %slice3A_669 = vector.extract_strided_slice %dot_general3A_484 {offsets = [0, 1920], sizes = [200, 128], strides = [1, 1]} : vector<200x2048xf32> to vector<200x128xf32>
    %mul3A_670 = arith.mulf %slice3A_669, %bitcast_convert_type3A_384 : vector<200x128xf32>
    %mul3A_671 = arith.mulf %slice3A_669, %bitcast_convert_type3A_388 : vector<200x128xf32>
    %slice3A_672 = vector.extract_strided_slice %dot_general3A_530 {offsets = [0, 1920], sizes = [200, 128], strides = [1, 1]} : vector<200x2048xf32> to vector<200x128xf32>
    %mul3A_673 = arith.mulf %slice3A_672, %bitcast_convert_type3A_384 : vector<200x128xf32>
    %mul3A_674 = arith.mulf %slice3A_672, %bitcast_convert_type3A_388 : vector<200x128xf32>
    %add3A_675 = arith.addf %mul3A_532, %mul3A_541 : vector<200x128xf32>
    %add3A_676 = arith.addf %mul3A_550, %mul3A_559 : vector<200x128xf32>
    %add3A_677 = arith.addf %mul3A_568, %mul3A_577 : vector<200x128xf32>
    %add3A_678 = arith.addf %mul3A_586, %mul3A_595 : vector<200x128xf32>
    %add3A_679 = arith.addf %mul3A_604, %mul3A_613 : vector<200x128xf32>
    %add3A_680 = arith.addf %mul3A_622, %mul3A_631 : vector<200x128xf32>
    %add3A_681 = arith.addf %mul3A_640, %mul3A_649 : vector<200x128xf32>
    %add3A_682 = arith.addf %mul3A_658, %mul3A_667 : vector<200x128xf32>
    %add3A_683 = arith.addf %add3A_675, %add3A_676 : vector<200x128xf32>
    %add3A_684 = arith.addf %add3A_677, %add3A_678 : vector<200x128xf32>
    %add3A_685 = arith.addf %add3A_679, %add3A_680 : vector<200x128xf32>
    %add3A_686 = arith.addf %add3A_681, %add3A_682 : vector<200x128xf32>
    %add3A_687 = arith.addf %add3A_683, %add3A_684 : vector<200x128xf32>
    %add3A_688 = arith.addf %add3A_685, %add3A_686 : vector<200x128xf32>
    %add3A_689 = arith.addf %add3A_687, %add3A_688 : vector<200x128xf32>
    %add3A_690 = arith.addf %mul3A_533, %mul3A_542 : vector<200x128xf32>
    %add3A_691 = arith.addf %mul3A_551, %mul3A_560 : vector<200x128xf32>
    %add3A_692 = arith.addf %mul3A_569, %mul3A_578 : vector<200x128xf32>
    %add3A_693 = arith.addf %mul3A_587, %mul3A_596 : vector<200x128xf32>
    %add3A_694 = arith.addf %mul3A_605, %mul3A_614 : vector<200x128xf32>
    %add3A_695 = arith.addf %mul3A_623, %mul3A_632 : vector<200x128xf32>
    %add3A_696 = arith.addf %mul3A_641, %mul3A_650 : vector<200x128xf32>
    %add3A_697 = arith.addf %mul3A_659, %mul3A_668 : vector<200x128xf32>
    %add3A_698 = arith.addf %add3A_690, %add3A_691 : vector<200x128xf32>
    %add3A_699 = arith.addf %add3A_692, %add3A_693 : vector<200x128xf32>
    %add3A_700 = arith.addf %add3A_694, %add3A_695 : vector<200x128xf32>
    %add3A_701 = arith.addf %add3A_696, %add3A_697 : vector<200x128xf32>
    %add3A_702 = arith.addf %add3A_698, %add3A_699 : vector<200x128xf32>
    %add3A_703 = arith.addf %add3A_700, %add3A_701 : vector<200x128xf32>
    %add3A_704 = arith.addf %add3A_702, %add3A_703 : vector<200x128xf32>
    %concatenate3A_705 = tpu.concatenate %add3A_689, %add3A_704 in 1 : vector<200x128xf32>, vector<200x128xf32> -> vector<200x256xf32>
    %mul3A_706 = vector.broadcast %div3A_435 : vector<200x1xf32> to vector<200x256xf32>
    %mul3A_707 = arith.mulf %concatenate3A_705, %mul3A_706 : vector<200x256xf32>
    %convert_element_type3A_708 = arith.truncf %mul3A_707 : vector<200x256xf32> to vector<200x256xbf16>
    %get3A_709 = arith.constant 0 : index
    %get3A_710 = arith.constant 0 : index
    %get3A_711 = vector.load %arg11[%get3A_709, %get3A_710] : memref<256x256xbf16, #tpu.memory_space<vmem>>, vector<256x256xbf16>
    %dot_general3A_712 = arith.constant dense<0.000000e+00> : vector<200x256xf32>
    %dot_general3A_713 = tpu.matmul %convert_element_type3A_708, %get3A_711, %dot_general3A_712 {dimension_numbers = #tpu.dot_dimension_numbers<[1], [0], [0], [1], [0, 0, 1, 1], [], []>, transpose_lhs_hint = false} : vector<200x256xbf16>, vector<256x256xbf16>, vector<200x256xf32> -> vector<200x256xf32>
    %get3A_714 = arith.constant 0 : index
    %get3A_715 = arith.constant 0 : index
    %get3A_716 = vector.load %arg12[%get3A_714, %get3A_715] : memref<1x256xf32, #tpu.memory_space<vmem>>, vector<1x256xf32>
    %add3A_717 = vector.broadcast %get3A_716 : vector<1x256xf32> to vector<200x256xf32>
    %add3A_718 = arith.addf %dot_general3A_713, %add3A_717 : vector<200x256xf32>
    %get3A_719 = arith.constant 0 : index
    %get3A_720 = arith.constant 0 : index
    %get3A_721 = vector.load %arg5[%get3A_719, %get3A_720] : memref<200x256xbf16, #tpu.memory_space<vmem>>, vector<200x256xbf16>
    %convert_element_type3A_722 = arith.extf %get3A_721 : vector<200x256xbf16> to vector<200x256xf32>
    %add3A_723 = arith.addf %add3A_718, %convert_element_type3A_722 : vector<200x256xf32>
    %get3A_724 = arith.constant 0 : index
    %get3A_725 = arith.constant 0 : index
    %get3A_726 = vector.load %arg13[%get3A_724, %get3A_725] : memref<1x256xf32, #tpu.memory_space<vmem>>, vector<1x256xf32>
    %get3A_727 = arith.constant 0 : index
    %get3A_728 = arith.constant 0 : index
    %get3A_729 = vector.load %arg14[%get3A_727, %get3A_728] : memref<1x256xf32, #tpu.memory_space<vmem>>, vector<1x256xf32>
    %reduce_sum3A = arith.constant dense<0.000000e+00> : vector<200xf32>
    %reduce_sum3A_730 = vector.multi_reduction <add>, %add3A_723, %reduce_sum3A [1] : vector<200x256xf32> to vector<200xf32>
    %broadcast_in_dim3A_731 = vector.shape_cast %reduce_sum3A_730 : vector<200xf32> to vector<200x1xf32>
    %div3A_732 = arith.constant 2.560000e+02 : f32
    %div3A_733 = vector.broadcast %div3A_732 : f32 to vector<200x1xf32>
    %div3A_734 = arith.divf %broadcast_in_dim3A_731, %div3A_733 : vector<200x1xf32>
    %sub3A_735 = vector.broadcast %div3A_734 : vector<200x1xf32> to vector<200x256xf32>
    %sub3A_736 = arith.subf %add3A_723, %sub3A_735 : vector<200x256xf32>
    %integer_pow3A = arith.mulf %sub3A_736, %sub3A_736 : vector<200x256xf32>
    %reduce_sum3A_737 = arith.constant dense<0.000000e+00> : vector<200xf32>
    %reduce_sum3A_738 = vector.multi_reduction <add>, %integer_pow3A, %reduce_sum3A_737 [1] : vector<200x256xf32> to vector<200xf32>
    %broadcast_in_dim3A_739 = vector.shape_cast %reduce_sum3A_738 : vector<200xf32> to vector<200x1xf32>
    %div3A_740 = arith.constant 2.560000e+02 : f32
    %div3A_741 = vector.broadcast %div3A_740 : f32 to vector<200x1xf32>
    %div3A_742 = arith.divf %broadcast_in_dim3A_739, %div3A_741 : vector<200x1xf32>
    %sub3A_743 = vector.broadcast %div3A_734 : vector<200x1xf32> to vector<200x256xf32>
    %sub3A_744 = arith.subf %add3A_723, %sub3A_743 : vector<200x256xf32>
    %add3A_745 = arith.constant 9.99999974E-6 : f32
    %add3A_746 = vector.broadcast %add3A_745 : f32 to vector<200x1xf32>
    %add3A_747 = arith.addf %div3A_742, %add3A_746 : vector<200x1xf32>
    %rsqrt3A = math.rsqrt %add3A_747 : vector<200x1xf32>
    %mul3A_748 = vector.broadcast %rsqrt3A : vector<200x1xf32> to vector<200x256xf32>
    %mul3A_749 = arith.mulf %sub3A_744, %mul3A_748 : vector<200x256xf32>
    %mul3A_750 = vector.broadcast %get3A_726 : vector<1x256xf32> to vector<200x256xf32>
    %mul3A_751 = arith.mulf %mul3A_749, %mul3A_750 : vector<200x256xf32>
    %add3A_752 = vector.broadcast %get3A_729 : vector<1x256xf32> to vector<200x256xf32>
    %add3A_753 = arith.addf %mul3A_751, %add3A_752 : vector<200x256xf32>
    %add3A_754 = arith.addf %mul3A_535, %mul3A_544 : vector<200x128xf32>
    %add3A_755 = arith.addf %mul3A_553, %mul3A_562 : vector<200x128xf32>
    %add3A_756 = arith.addf %mul3A_571, %mul3A_580 : vector<200x128xf32>
    %add3A_757 = arith.addf %mul3A_589, %mul3A_598 : vector<200x128xf32>
    %add3A_758 = arith.addf %mul3A_607, %mul3A_616 : vector<200x128xf32>
    %add3A_759 = arith.addf %mul3A_625, %mul3A_634 : vector<200x128xf32>
    %add3A_760 = arith.addf %mul3A_643, %mul3A_652 : vector<200x128xf32>
    %add3A_761 = arith.addf %mul3A_661, %mul3A_670 : vector<200x128xf32>
    %add3A_762 = arith.addf %add3A_754, %add3A_755 : vector<200x128xf32>
    %add3A_763 = arith.addf %add3A_756, %add3A_757 : vector<200x128xf32>
    %add3A_764 = arith.addf %add3A_758, %add3A_759 : vector<200x128xf32>
    %add3A_765 = arith.addf %add3A_760, %add3A_761 : vector<200x128xf32>
    %add3A_766 = arith.addf %add3A_762, %add3A_763 : vector<200x128xf32>
    %add3A_767 = arith.addf %add3A_764, %add3A_765 : vector<200x128xf32>
    %add3A_768 = arith.addf %add3A_766, %add3A_767 : vector<200x128xf32>
    %add3A_769 = arith.addf %mul3A_536, %mul3A_545 : vector<200x128xf32>
    %add3A_770 = arith.addf %mul3A_554, %mul3A_563 : vector<200x128xf32>
    %add3A_771 = arith.addf %mul3A_572, %mul3A_581 : vector<200x128xf32>
    %add3A_772 = arith.addf %mul3A_590, %mul3A_599 : vector<200x128xf32>
    %add3A_773 = arith.addf %mul3A_608, %mul3A_617 : vector<200x128xf32>
    %add3A_774 = arith.addf %mul3A_626, %mul3A_635 : vector<200x128xf32>
    %add3A_775 = arith.addf %mul3A_644, %mul3A_653 : vector<200x128xf32>
    %add3A_776 = arith.addf %mul3A_662, %mul3A_671 : vector<200x128xf32>
    %add3A_777 = arith.addf %add3A_769, %add3A_770 : vector<200x128xf32>
    %add3A_778 = arith.addf %add3A_771, %add3A_772 : vector<200x128xf32>
    %add3A_779 = arith.addf %add3A_773, %add3A_774 : vector<200x128xf32>
    %add3A_780 = arith.addf %add3A_775, %add3A_776 : vector<200x128xf32>
    %add3A_781 = arith.addf %add3A_777, %add3A_778 : vector<200x128xf32>
    %add3A_782 = arith.addf %add3A_779, %add3A_780 : vector<200x128xf32>
    %add3A_783 = arith.addf %add3A_781, %add3A_782 : vector<200x128xf32>
    %concatenate3A_784 = tpu.concatenate %add3A_768, %add3A_783 in 1 : vector<200x128xf32>, vector<200x128xf32> -> vector<200x256xf32>
    %mul3A_785 = vector.broadcast %div3A_481 : vector<200x1xf32> to vector<200x256xf32>
    %mul3A_786 = arith.mulf %concatenate3A_784, %mul3A_785 : vector<200x256xf32>
    %convert_element_type3A_787 = arith.truncf %mul3A_786 : vector<200x256xf32> to vector<200x256xbf16>
    %get3A_788 = arith.constant 0 : index
    %get3A_789 = arith.constant 0 : index
    %get3A_790 = vector.load %arg15[%get3A_788, %get3A_789] : memref<256x256xbf16, #tpu.memory_space<vmem>>, vector<256x256xbf16>
    %dot_general3A_791 = arith.constant dense<0.000000e+00> : vector<200x256xf32>
    %dot_general3A_792 = tpu.matmul %convert_element_type3A_787, %get3A_790, %dot_general3A_791 {dimension_numbers = #tpu.dot_dimension_numbers<[1], [0], [0], [1], [0, 0, 1, 1], [], []>, transpose_lhs_hint = false} : vector<200x256xbf16>, vector<256x256xbf16>, vector<200x256xf32> -> vector<200x256xf32>
    %get3A_793 = arith.constant 0 : index
    %get3A_794 = arith.constant 0 : index
    %get3A_795 = vector.load %arg16[%get3A_793, %get3A_794] : memref<1x256xf32, #tpu.memory_space<vmem>>, vector<1x256xf32>
    %add3A_796 = vector.broadcast %get3A_795 : vector<1x256xf32> to vector<200x256xf32>
    %add3A_797 = arith.addf %dot_general3A_792, %add3A_796 : vector<200x256xf32>
    %get3A_798 = arith.constant 0 : index
    %get3A_799 = arith.constant 0 : index
    %get3A_800 = vector.load %arg6[%get3A_798, %get3A_799] : memref<200x256xbf16, #tpu.memory_space<vmem>>, vector<200x256xbf16>
    %convert_element_type3A_801 = arith.extf %get3A_800 : vector<200x256xbf16> to vector<200x256xf32>
    %add3A_802 = arith.addf %add3A_797, %convert_element_type3A_801 : vector<200x256xf32>
    %get3A_803 = arith.constant 0 : index
    %get3A_804 = arith.constant 0 : index
    %get3A_805 = vector.load %arg17[%get3A_803, %get3A_804] : memref<1x256xf32, #tpu.memory_space<vmem>>, vector<1x256xf32>
    %get3A_806 = arith.constant 0 : index
    %get3A_807 = arith.constant 0 : index
    %get3A_808 = vector.load %arg18[%get3A_806, %get3A_807] : memref<1x256xf32, #tpu.memory_space<vmem>>, vector<1x256xf32>
    %reduce_sum3A_809 = arith.constant dense<0.000000e+00> : vector<200xf32>
    %reduce_sum3A_810 = vector.multi_reduction <add>, %add3A_802, %reduce_sum3A_809 [1] : vector<200x256xf32> to vector<200xf32>
    %broadcast_in_dim3A_811 = vector.shape_cast %reduce_sum3A_810 : vector<200xf32> to vector<200x1xf32>
    %div3A_812 = arith.constant 2.560000e+02 : f32
    %div3A_813 = vector.broadcast %div3A_812 : f32 to vector<200x1xf32>
    %div3A_814 = arith.divf %broadcast_in_dim3A_811, %div3A_813 : vector<200x1xf32>
    %sub3A_815 = vector.broadcast %div3A_814 : vector<200x1xf32> to vector<200x256xf32>
    %sub3A_816 = arith.subf %add3A_802, %sub3A_815 : vector<200x256xf32>
    %integer_pow3A_817 = arith.mulf %sub3A_816, %sub3A_816 : vector<200x256xf32>
    %reduce_sum3A_818 = arith.constant dense<0.000000e+00> : vector<200xf32>
    %reduce_sum3A_819 = vector.multi_reduction <add>, %integer_pow3A_817, %reduce_sum3A_818 [1] : vector<200x256xf32> to vector<200xf32>
    %broadcast_in_dim3A_820 = vector.shape_cast %reduce_sum3A_819 : vector<200xf32> to vector<200x1xf32>
    %div3A_821 = arith.constant 2.560000e+02 : f32
    %div3A_822 = vector.broadcast %div3A_821 : f32 to vector<200x1xf32>
    %div3A_823 = arith.divf %broadcast_in_dim3A_820, %div3A_822 : vector<200x1xf32>
    %sub3A_824 = vector.broadcast %div3A_814 : vector<200x1xf32> to vector<200x256xf32>
    %sub3A_825 = arith.subf %add3A_802, %sub3A_824 : vector<200x256xf32>
    %add3A_826 = arith.constant 9.99999974E-6 : f32
    %add3A_827 = vector.broadcast %add3A_826 : f32 to vector<200x1xf32>
    %add3A_828 = arith.addf %div3A_823, %add3A_827 : vector<200x1xf32>
    %rsqrt3A_829 = math.rsqrt %add3A_828 : vector<200x1xf32>
    %mul3A_830 = vector.broadcast %rsqrt3A_829 : vector<200x1xf32> to vector<200x256xf32>
    %mul3A_831 = arith.mulf %sub3A_825, %mul3A_830 : vector<200x256xf32>
    %mul3A_832 = vector.broadcast %get3A_805 : vector<1x256xf32> to vector<200x256xf32>
    %mul3A_833 = arith.mulf %mul3A_831, %mul3A_832 : vector<200x256xf32>
    %add3A_834 = vector.broadcast %get3A_808 : vector<1x256xf32> to vector<200x256xf32>
    %add3A_835 = arith.addf %mul3A_833, %add3A_834 : vector<200x256xf32>
    %add3A_836 = arith.addf %mul3A_538, %mul3A_547 : vector<200x128xf32>
    %add3A_837 = arith.addf %mul3A_556, %mul3A_565 : vector<200x128xf32>
    %add3A_838 = arith.addf %mul3A_574, %mul3A_583 : vector<200x128xf32>
    %add3A_839 = arith.addf %mul3A_592, %mul3A_601 : vector<200x128xf32>
    %add3A_840 = arith.addf %mul3A_610, %mul3A_619 : vector<200x128xf32>
    %add3A_841 = arith.addf %mul3A_628, %mul3A_637 : vector<200x128xf32>
    %add3A_842 = arith.addf %mul3A_646, %mul3A_655 : vector<200x128xf32>
    %add3A_843 = arith.addf %mul3A_664, %mul3A_673 : vector<200x128xf32>
    %add3A_844 = arith.addf %add3A_836, %add3A_837 : vector<200x128xf32>
    %add3A_845 = arith.addf %add3A_838, %add3A_839 : vector<200x128xf32>
    %add3A_846 = arith.addf %add3A_840, %add3A_841 : vector<200x128xf32>
    %add3A_847 = arith.addf %add3A_842, %add3A_843 : vector<200x128xf32>
    %add3A_848 = arith.addf %add3A_844, %add3A_845 : vector<200x128xf32>
    %add3A_849 = arith.addf %add3A_846, %add3A_847 : vector<200x128xf32>
    %add3A_850 = arith.addf %add3A_848, %add3A_849 : vector<200x128xf32>
    %add3A_851 = arith.addf %mul3A_539, %mul3A_548 : vector<200x128xf32>
    %add3A_852 = arith.addf %mul3A_557, %mul3A_566 : vector<200x128xf32>
    %add3A_853 = arith.addf %mul3A_575, %mul3A_584 : vector<200x128xf32>
    %add3A_854 = arith.addf %mul3A_593, %mul3A_602 : vector<200x128xf32>
    %add3A_855 = arith.addf %mul3A_611, %mul3A_620 : vector<200x128xf32>
    %add3A_856 = arith.addf %mul3A_629, %mul3A_638 : vector<200x128xf32>
    %add3A_857 = arith.addf %mul3A_647, %mul3A_656 : vector<200x128xf32>
    %add3A_858 = arith.addf %mul3A_665, %mul3A_674 : vector<200x128xf32>
    %add3A_859 = arith.addf %add3A_851, %add3A_852 : vector<200x128xf32>
    %add3A_860 = arith.addf %add3A_853, %add3A_854 : vector<200x128xf32>
    %add3A_861 = arith.addf %add3A_855, %add3A_856 : vector<200x128xf32>
    %add3A_862 = arith.addf %add3A_857, %add3A_858 : vector<200x128xf32>
    %add3A_863 = arith.addf %add3A_859, %add3A_860 : vector<200x128xf32>
    %add3A_864 = arith.addf %add3A_861, %add3A_862 : vector<200x128xf32>
    %add3A_865 = arith.addf %add3A_863, %add3A_864 : vector<200x128xf32>
    %concatenate3A_866 = tpu.concatenate %add3A_850, %add3A_865 in 1 : vector<200x128xf32>, vector<200x128xf32> -> vector<200x256xf32>
    %mul3A_867 = vector.broadcast %div3A_527 : vector<200x1xf32> to vector<200x256xf32>
    %mul3A_868 = arith.mulf %concatenate3A_866, %mul3A_867 : vector<200x256xf32>
    %convert_element_type3A_869 = arith.truncf %mul3A_868 : vector<200x256xf32> to vector<200x256xbf16>
    %get3A_870 = arith.constant 0 : index
    %get3A_871 = arith.constant 0 : index
    %get3A_872 = vector.load %arg19[%get3A_870, %get3A_871] : memref<256x256xbf16, #tpu.memory_space<vmem>>, vector<256x256xbf16>
    %dot_general3A_873 = arith.constant dense<0.000000e+00> : vector<200x256xf32>
    %dot_general3A_874 = tpu.matmul %convert_element_type3A_869, %get3A_872, %dot_general3A_873 {dimension_numbers = #tpu.dot_dimension_numbers<[1], [0], [0], [1], [0, 0, 1, 1], [], []>, transpose_lhs_hint = false} : vector<200x256xbf16>, vector<256x256xbf16>, vector<200x256xf32> -> vector<200x256xf32>
    %get3A_875 = arith.constant 0 : index
    %get3A_876 = arith.constant 0 : index
    %get3A_877 = vector.load %arg20[%get3A_875, %get3A_876] : memref<1x256xf32, #tpu.memory_space<vmem>>, vector<1x256xf32>
    %add3A_878 = vector.broadcast %get3A_877 : vector<1x256xf32> to vector<200x256xf32>
    %add3A_879 = arith.addf %dot_general3A_874, %add3A_878 : vector<200x256xf32>
    %get3A_880 = arith.constant 0 : index
    %get3A_881 = arith.constant 0 : index
    %get3A_882 = vector.load %arg7[%get3A_880, %get3A_881] : memref<200x256xbf16, #tpu.memory_space<vmem>>, vector<200x256xbf16>
    %convert_element_type3A_883 = arith.extf %get3A_882 : vector<200x256xbf16> to vector<200x256xf32>
    %add3A_884 = arith.addf %add3A_879, %convert_element_type3A_883 : vector<200x256xf32>
    %get3A_885 = arith.constant 0 : index
    %get3A_886 = arith.constant 0 : index
    %get3A_887 = vector.load %arg21[%get3A_885, %get3A_886] : memref<1x256xf32, #tpu.memory_space<vmem>>, vector<1x256xf32>
    %get3A_888 = arith.constant 0 : index
    %get3A_889 = arith.constant 0 : index
    %get3A_890 = vector.load %arg22[%get3A_888, %get3A_889] : memref<1x256xf32, #tpu.memory_space<vmem>>, vector<1x256xf32>
    %reduce_sum3A_891 = arith.constant dense<0.000000e+00> : vector<200xf32>
    %reduce_sum3A_892 = vector.multi_reduction <add>, %add3A_884, %reduce_sum3A_891 [1] : vector<200x256xf32> to vector<200xf32>
    %broadcast_in_dim3A_893 = vector.shape_cast %reduce_sum3A_892 : vector<200xf32> to vector<200x1xf32>
    %div3A_894 = arith.constant 2.560000e+02 : f32
    %div3A_895 = vector.broadcast %div3A_894 : f32 to vector<200x1xf32>
    %div3A_896 = arith.divf %broadcast_in_dim3A_893, %div3A_895 : vector<200x1xf32>
    %sub3A_897 = vector.broadcast %div3A_896 : vector<200x1xf32> to vector<200x256xf32>
    %sub3A_898 = arith.subf %add3A_884, %sub3A_897 : vector<200x256xf32>
    %integer_pow3A_899 = arith.mulf %sub3A_898, %sub3A_898 : vector<200x256xf32>
    %reduce_sum3A_900 = arith.constant dense<0.000000e+00> : vector<200xf32>
    %reduce_sum3A_901 = vector.multi_reduction <add>, %integer_pow3A_899, %reduce_sum3A_900 [1] : vector<200x256xf32> to vector<200xf32>
    %broadcast_in_dim3A_902 = vector.shape_cast %reduce_sum3A_901 : vector<200xf32> to vector<200x1xf32>
    %div3A_903 = arith.constant 2.560000e+02 : f32
    %div3A_904 = vector.broadcast %div3A_903 : f32 to vector<200x1xf32>
    %div3A_905 = arith.divf %broadcast_in_dim3A_902, %div3A_904 : vector<200x1xf32>
    %sub3A_906 = vector.broadcast %div3A_896 : vector<200x1xf32> to vector<200x256xf32>
    %sub3A_907 = arith.subf %add3A_884, %sub3A_906 : vector<200x256xf32>
    %add3A_908 = arith.constant 9.99999974E-6 : f32
    %add3A_909 = vector.broadcast %add3A_908 : f32 to vector<200x1xf32>
    %add3A_910 = arith.addf %div3A_905, %add3A_909 : vector<200x1xf32>
    %rsqrt3A_911 = math.rsqrt %add3A_910 : vector<200x1xf32>
    %mul3A_912 = vector.broadcast %rsqrt3A_911 : vector<200x1xf32> to vector<200x256xf32>
    %mul3A_913 = arith.mulf %sub3A_907, %mul3A_912 : vector<200x256xf32>
    %mul3A_914 = vector.broadcast %get3A_887 : vector<1x256xf32> to vector<200x256xf32>
    %mul3A_915 = arith.mulf %mul3A_913, %mul3A_914 : vector<200x256xf32>
    %add3A_916 = vector.broadcast %get3A_890 : vector<1x256xf32> to vector<200x256xf32>
    %add3A_917 = arith.addf %mul3A_915, %add3A_916 : vector<200x256xf32>
    %convert_element_type3A_918 = arith.truncf %get3A_1 : vector<200x256xf32> to vector<200x256xbf16>
    %get3A_919 = arith.constant 0 : index
    %get3A_920 = arith.constant 0 : index
    %get3A_921 = vector.load %arg23[%get3A_919, %get3A_920] : memref<256x128xbf16, #tpu.memory_space<vmem>>, vector<256x128xbf16>
    %dot_general3A_922 = arith.constant dense<0.000000e+00> : vector<200x128xf32>
    %dot_general3A_923 = tpu.matmul %convert_element_type3A_918, %get3A_921, %dot_general3A_922 {dimension_numbers = #tpu.dot_dimension_numbers<[1], [0], [0], [1], [0, 0, 1, 1], [], []>, transpose_lhs_hint = false} : vector<200x256xbf16>, vector<256x128xbf16>, vector<200x128xf32> -> vector<200x128xf32>
    %get3A_924 = arith.constant 0 : index
    %get3A_925 = arith.constant 0 : index
    %get3A_926 = vector.load %arg24[%get3A_924, %get3A_925] : memref<1x128xf32, #tpu.memory_space<vmem>>, vector<1x128xf32>
    %add3A_927 = vector.broadcast %get3A_926 : vector<1x128xf32> to vector<200x128xf32>
    %add3A_928 = arith.addf %dot_general3A_923, %add3A_927 : vector<200x128xf32>
    %max3A = arith.constant 0.000000e+00 : f32
    %max3A_929 = vector.broadcast %max3A : f32 to vector<200x128xf32>
    %max3A_930 = arith.maximumf %add3A_928, %max3A_929 : vector<200x128xf32>
    %convert_element_type3A_931 = arith.truncf %max3A_930 : vector<200x128xf32> to vector<200x128xbf16>
    %get3A_932 = arith.constant 0 : index
    %get3A_933 = arith.constant 0 : index
    %get3A_934 = vector.load %arg25[%get3A_932, %get3A_933] : memref<128x128xbf16, #tpu.memory_space<vmem>>, vector<128x128xbf16>
    %dot_general3A_935 = arith.constant dense<0.000000e+00> : vector<200x128xf32>
    %dot_general3A_936 = tpu.matmul %convert_element_type3A_931, %get3A_934, %dot_general3A_935 {dimension_numbers = #tpu.dot_dimension_numbers<[1], [0], [0], [1], [0, 0, 1, 1], [], []>, transpose_lhs_hint = false} : vector<200x128xbf16>, vector<128x128xbf16>, vector<200x128xf32> -> vector<200x128xf32>
    %get3A_937 = arith.constant 0 : index
    %get3A_938 = arith.constant 0 : index
    %get3A_939 = vector.load %arg26[%get3A_937, %get3A_938] : memref<1x128xf32, #tpu.memory_space<vmem>>, vector<1x128xf32>
    %add3A_940 = vector.broadcast %get3A_939 : vector<1x128xf32> to vector<200x128xf32>
    %add3A_941 = arith.addf %dot_general3A_936, %add3A_940 : vector<200x128xf32>
    %reduce_max3A_942 = arith.constant dense<0xFF800000> : vector<200xf32>
    %reduce_max3A_943 = vector.multi_reduction <maximumf>, %add3A_941, %reduce_max3A_942 [1] : vector<200x128xf32> to vector<200xf32>
    %broadcast_in_dim3A_944 = vector.shape_cast %reduce_max3A_943 : vector<200xf32> to vector<200x1xf32>
    %sub3A_945 = vector.broadcast %broadcast_in_dim3A_944 : vector<200x1xf32> to vector<200x128xf32>
    %sub3A_946 = arith.subf %add3A_941, %sub3A_945 : vector<200x128xf32>
    %exp3A_947 = math.exp %sub3A_946 : vector<200x128xf32>
    %reduce_sum3A_948 = arith.constant dense<0.000000e+00> : vector<200xf32>
    %reduce_sum3A_949 = vector.multi_reduction <add>, %exp3A_947, %reduce_sum3A_948 [1] : vector<200x128xf32> to vector<200xf32>
    %broadcast_in_dim3A_950 = vector.shape_cast %reduce_sum3A_949 : vector<200xf32> to vector<200x1xf32>
    %div3A_951 = arith.constant 1.000000e+00 : f32
    %div3A_952 = vector.broadcast %div3A_951 : f32 to vector<200x1xf32>
    %div3A_953 = arith.divf %div3A_952, %broadcast_in_dim3A_950 : vector<200x1xf32>
    %slice3A_954 = vector.extract_strided_slice %exp3A_947 {offsets = [0, 0], sizes = [200, 1], strides = [1, 1]} : vector<200x128xf32> to vector<200x1xf32>
    %mul3A_955 = vector.broadcast %slice3A_954 : vector<200x1xf32> to vector<200x256xf32>
    %mul3A_956 = arith.mulf %mul3A_955, %add3A_753 : vector<200x256xf32>
    %slice3A_957 = vector.extract_strided_slice %exp3A_947 {offsets = [0, 1], sizes = [200, 1], strides = [1, 1]} : vector<200x128xf32> to vector<200x1xf32>
    %mul3A_958 = vector.broadcast %slice3A_957 : vector<200x1xf32> to vector<200x256xf32>
    %mul3A_959 = arith.mulf %mul3A_958, %add3A_835 : vector<200x256xf32>
    %add3A_960 = arith.addf %mul3A_956, %mul3A_959 : vector<200x256xf32>
    %slice3A_961 = vector.extract_strided_slice %exp3A_947 {offsets = [0, 2], sizes = [200, 1], strides = [1, 1]} : vector<200x128xf32> to vector<200x1xf32>
    %mul3A_962 = vector.broadcast %slice3A_961 : vector<200x1xf32> to vector<200x256xf32>
    %mul3A_963 = arith.mulf %mul3A_962, %add3A_917 : vector<200x256xf32>
    %add3A_964 = arith.addf %add3A_960, %mul3A_963 : vector<200x256xf32>
    %mul3A_965 = vector.broadcast %div3A_953 : vector<200x1xf32> to vector<200x256xf32>
    %mul3A_966 = arith.mulf %add3A_964, %mul3A_965 : vector<200x256xf32>
    %add3A_967 = arith.addf %mul3A_966, %get3A_1 : vector<200x256xf32>
    %get3A_968 = arith.constant 0 : index
    %get3A_969 = arith.constant 0 : index
    %get3A_970 = vector.load %arg27[%get3A_968, %get3A_969] : memref<1x256xf32, #tpu.memory_space<vmem>>, vector<1x256xf32>
    %get3A_971 = arith.constant 0 : index
    %get3A_972 = arith.constant 0 : index
    %get3A_973 = vector.load %arg28[%get3A_971, %get3A_972] : memref<1x256xf32, #tpu.memory_space<vmem>>, vector<1x256xf32>
    %reduce_sum3A_974 = arith.constant dense<0.000000e+00> : vector<200xf32>
    %reduce_sum3A_975 = vector.multi_reduction <add>, %add3A_967, %reduce_sum3A_974 [1] : vector<200x256xf32> to vector<200xf32>
    %broadcast_in_dim3A_976 = vector.shape_cast %reduce_sum3A_975 : vector<200xf32> to vector<200x1xf32>
    %div3A_977 = arith.constant 2.560000e+02 : f32
    %div3A_978 = vector.broadcast %div3A_977 : f32 to vector<200x1xf32>
    %div3A_979 = arith.divf %broadcast_in_dim3A_976, %div3A_978 : vector<200x1xf32>
    %sub3A_980 = vector.broadcast %div3A_979 : vector<200x1xf32> to vector<200x256xf32>
    %sub3A_981 = arith.subf %add3A_967, %sub3A_980 : vector<200x256xf32>
    %integer_pow3A_982 = arith.mulf %sub3A_981, %sub3A_981 : vector<200x256xf32>
    %reduce_sum3A_983 = arith.constant dense<0.000000e+00> : vector<200xf32>
    %reduce_sum3A_984 = vector.multi_reduction <add>, %integer_pow3A_982, %reduce_sum3A_983 [1] : vector<200x256xf32> to vector<200xf32>
    %broadcast_in_dim3A_985 = vector.shape_cast %reduce_sum3A_984 : vector<200xf32> to vector<200x1xf32>
    %div3A_986 = arith.constant 2.560000e+02 : f32
    %div3A_987 = vector.broadcast %div3A_986 : f32 to vector<200x1xf32>
    %div3A_988 = arith.divf %broadcast_in_dim3A_985, %div3A_987 : vector<200x1xf32>
    %sub3A_989 = vector.broadcast %div3A_979 : vector<200x1xf32> to vector<200x256xf32>
    %sub3A_990 = arith.subf %add3A_967, %sub3A_989 : vector<200x256xf32>
    %add3A_991 = arith.constant 9.99999974E-6 : f32
    %add3A_992 = vector.broadcast %add3A_991 : f32 to vector<200x1xf32>
    %add3A_993 = arith.addf %div3A_988, %add3A_992 : vector<200x1xf32>
    %rsqrt3A_994 = math.rsqrt %add3A_993 : vector<200x1xf32>
    %mul3A_995 = vector.broadcast %rsqrt3A_994 : vector<200x1xf32> to vector<200x256xf32>
    %mul3A_996 = arith.mulf %sub3A_990, %mul3A_995 : vector<200x256xf32>
    %mul3A_997 = vector.broadcast %get3A_970 : vector<1x256xf32> to vector<200x256xf32>
    %mul3A_998 = arith.mulf %mul3A_996, %mul3A_997 : vector<200x256xf32>
    %add3A_999 = vector.broadcast %get3A_973 : vector<1x256xf32> to vector<200x256xf32>
    %add3A_1000 = arith.addf %mul3A_998, %add3A_999 : vector<200x256xf32>
    %swap3A = arith.constant 0 : index
    %swap3A_1001 = arith.constant 0 : index
    %swap3A_1002 = vector.load %arg29[%swap3A, %swap3A_1001] : memref<200x256xf32, #tpu.memory_space<vmem>>, vector<200x256xf32>
    tpu.vector_store %arg29[%swap3A, %swap3A_1001], %add3A_1000 {strides = array<i32>} : memref<200x256xf32, #tpu.memory_space<vmem>>, vector<200x256xf32>,
    return
  }
  func.func @transform_0(%arg0: i32) -> (i32, i32, i32) {
    %c0_i32 = arith.constant 0 : i32
    %c0_i32_0 = arith.constant 0 : i32
    %c0_i32_1 = arith.constant 0 : i32
    return %c0_i32, %arg0, %c0_i32_0 : i32, i32, i32
  }
  func.func @transform_1(%arg0: i32) -> (i32, i32) {
    %c0_i32 = arith.constant 0 : i32
    %c0_i32_0 = arith.constant 0 : i32
    return %arg0, %c0_i32 : i32, i32
  }
  func.func @transform_2(%arg0: i32) -> (i32, i32) {
    %c0_i32 = arith.constant 0 : i32
    %c0_i32_0 = arith.constant 0 : i32
    return %arg0, %c0_i32 : i32, i32
  }
  func.func @transform_3(%arg0: i32) -> (i32, i32) {
    %c0_i32 = arith.constant 0 : i32
    %c0_i32_0 = arith.constant 0 : i32
    return %arg0, %c0_i32 : i32, i32
  }
  func.func @transform_4(%arg0: i32) -> (i32, i32) {
    %c0_i32 = arith.constant 0 : i32
    %c0_i32_0 = arith.constant 0 : i32
    return %arg0, %c0_i32 : i32, i32
  }
  func.func @transform_5(%arg0: i32) -> (i32, i32) {
    %c0_i32 = arith.constant 0 : i32
    %c0_i32_0 = arith.constant 0 : i32
    return %arg0, %c0_i32 : i32, i32
  }
  func.func @transform_6(%arg0: i32) -> (i32, i32) {
    %c0_i32 = arith.constant 0 : i32
    %c0_i32_0 = arith.constant 0 : i32
    return %arg0, %c0_i32 : i32, i32
  }
  func.func @transform_7(%arg0: i32) -> (i32, i32) {
    %c0_i32 = arith.constant 0 : i32
    %c0_i32_0 = arith.constant 0 : i32
    return %arg0, %c0_i32 : i32, i32
  }
  func.func @transform_8(%arg0: i32) -> (i32, i32) {
    %c0_i32 = arith.constant 0 : i32
    %c0_i32_0 = arith.constant 0 : i32
    %c0_i32_1 = arith.constant 0 : i32
    return %c0_i32, %c0_i32_0 : i32, i32
  }
  func.func @transform_9(%arg0: i32) -> (i32, i32) {
    %c0_i32 = arith.constant 0 : i32
    %c0_i32_0 = arith.constant 0 : i32
    %c0_i32_1 = arith.constant 0 : i32
    return %c0_i32, %c0_i32_0 : i32, i32
  }
  func.func @transform_10(%arg0: i32) -> (i32, i32) {
    %c0_i32 = arith.constant 0 : i32
    %c0_i32_0 = arith.constant 0 : i32
    %c0_i32_1 = arith.constant 0 : i32
    return %c0_i32, %c0_i32_0 : i32, i32
  }
  func.func @transform_11(%arg0: i32) -> (i32, i32) {
    %c0_i32 = arith.constant 0 : i32
    %c0_i32_0 = arith.constant 0 : i32
    %c0_i32_1 = arith.constant 0 : i32
    return %c0_i32, %c0_i32_0 : i32, i32
  }
  func.func @transform_12(%arg0: i32) -> (i32, i32) {
    %c0_i32 = arith.constant 0 : i32
    %c0_i32_0 = arith.constant 0 : i32
    %c0_i32_1 = arith.constant 0 : i32
    return %c0_i32, %c0_i32_0 : i32, i32
  }
  func.func @transform_13(%arg0: i32) -> (i32, i32) {
    %c0_i32 = arith.constant 0 : i32
    %c0_i32_0 = arith.constant 0 : i32
    %c0_i32_1 = arith.constant 0 : i32
    return %c0_i32, %c0_i32_0 : i32, i32
  }
  func.func @transform_14(%arg0: i32) -> (i32, i32) {
    %c0_i32 = arith.constant 0 : i32
    %c0_i32_0 = arith.constant 0 : i32
    %c0_i32_1 = arith.constant 0 : i32
    return %c0_i32, %c0_i32_0 : i32, i32
  }
  func.func @transform_15(%arg0: i32) -> (i32, i32) {
    %c0_i32 = arith.constant 0 : i32
    %c0_i32_0 = arith.constant 0 : i32
    %c0_i32_1 = arith.constant 0 : i32
    return %c0_i32, %c0_i32_0 : i32, i32
  }
  func.func @transform_16(%arg0: i32) -> (i32, i32) {
    %c0_i32 = arith.constant 0 : i32
    %c0_i32_0 = arith.constant 0 : i32
    %c0_i32_1 = arith.constant 0 : i32
    return %c0_i32, %c0_i32_0 : i32, i32
  }
  func.func @transform_17(%arg0: i32) -> (i32, i32) {
    %c0_i32 = arith.constant 0 : i32
    %c0_i32_0 = arith.constant 0 : i32
    %c0_i32_1 = arith.constant 0 : i32
    return %c0_i32, %c0_i32_0 : i32, i32
  }
  func.func @transform_18(%arg0: i32) -> (i32, i32) {
    %c0_i32 = arith.constant 0 : i32
    %c0_i32_0 = arith.constant 0 : i32
    %c0_i32_1 = arith.constant 0 : i32
    return %c0_i32, %c0_i32_0 : i32, i32
  }
  func.func @transform_19(%arg0: i32) -> (i32, i32) {
    %c0_i32 = arith.constant 0 : i32
    %c0_i32_0 = arith.constant 0 : i32
    %c0_i32_1 = arith.constant 0 : i32
    return %c0_i32, %c0_i32_0 : i32, i32
  }
  func.func @transform_20(%arg0: i32) -> (i32, i32) {
    %c0_i32 = arith.constant 0 : i32
    %c0_i32_0 = arith.constant 0 : i32
    %c0_i32_1 = arith.constant 0 : i32
    return %c0_i32, %c0_i32_0 : i32, i32
  }
  func.func @transform_21(%arg0: i32) -> (i32, i32) {
    %c0_i32 = arith.constant 0 : i32
    %c0_i32_0 = arith.constant 0 : i32
    %c0_i32_1 = arith.constant 0 : i32
    return %c0_i32, %c0_i32_0 : i32, i32
  }
  func.func @transform_22(%arg0: i32) -> (i32, i32) {
    %c0_i32 = arith.constant 0 : i32
    %c0_i32_0 = arith.constant 0 : i32
    %c0_i32_1 = arith.constant 0 : i32
    return %c0_i32, %c0_i32_0 : i32, i32
  }
  func.func @transform_23(%arg0: i32) -> (i32, i32) {
    %c0_i32 = arith.constant 0 : i32
    %c0_i32_0 = arith.constant 0 : i32
    %c0_i32_1 = arith.constant 0 : i32
    return %c0_i32, %c0_i32_0 : i32, i32
  }
  func.func @transform_24(%arg0: i32) -> (i32, i32) {
    %c0_i32 = arith.constant 0 : i32
    %c0_i32_0 = arith.constant 0 : i32
    %c0_i32_1 = arith.constant 0 : i32
    return %c0_i32, %c0_i32_0 : i32, i32
  }
  func.func @transform_25(%arg0: i32) -> (i32, i32) {
    %c0_i32 = arith.constant 0 : i32
    %c0_i32_0 = arith.constant 0 : i32
    %c0_i32_1 = arith.constant 0 : i32
    return %c0_i32, %c0_i32_0 : i32, i32
  }
  func.func @transform_26(%arg0: i32) -> (i32, i32) {
    %c0_i32 = arith.constant 0 : i32
    %c0_i32_0 = arith.constant 0 : i32
    %c0_i32_1 = arith.constant 0 : i32
    return %c0_i32, %c0_i32_0 : i32, i32
  }
  func.func @transform_27(%arg0: i32) -> (i32, i32) {
    %c0_i32 = arith.constant 0 : i32
    %c0_i32_0 = arith.constant 0 : i32
    %c0_i32_1 = arith.constant 0 : i32
    return %c0_i32, %c0_i32_0 : i32, i32
  }
  func.func @transform_28(%arg0: i32) -> (i32, i32) {
    %c0_i32 = arith.constant 0 : i32
    %c0_i32_0 = arith.constant 0 : i32
    return %arg0, %c0_i32 : i32, i32
  }
}

</mosaic_0001>

<sc_bundles>
// kernel: kernel.6.cloned.1.call-start
scs
__scs_entry_jumppad:
0x0: {  	(pc) =	sbr.rel $0x88, $3  }
0x1: {  	(tag) =	ssettag $0x0;
	lr =	simm.s32 $0x1  }
0x2: {  	[smem:$0x3F81] =	sst lr;
	_ =	strace $0xD0000000  }
0x3: {  	_ = 	snop  }
0x4: {  	_ = 	snop  }
0x5: {  	_ = 	snop  }
0x6: {  	_ = 	snop  }
0x7: {  	_ = 	snop  }
__scs_overlays_trampoline_lowered:
0x8: {  	[smem:$0x3F90] =	sst s0  }
0x9: {  	[smem:$0x3F91] =	sst s1  }
0xa: {  	[smem:$0x3F92] =	sst s2  }
0xb: {  	[smem:$0x3F93] =	sst s3  }
0xc: {  	[smem:$0x3F94] =	sst s4  }
0xd: {  	[smem:$0x3F95] =	sst s5  }
0xe: {  	[smem:$0x3F96] =	sst s6  }
0xf: {  	[smem:$0x3F97] =	sst s7  }
0x10: {  	[smem:$0x3F98] =	sst s8  }
0x11: {  	[smem:$0x3F99] =	sst s9;
	s0 =	simm.s32 @!p0 $0x0  }
0x12: {  	s1 =	sld [smem:$0x3F7F];
	s0 =	simm.s32 @p0 $0x1  }
0x13: {  	[smem:$0x3F9A] =	sst s0;
	s0 =	simm.s32 @!p1 $0x0  }
0x14: {  	s2 =	sld [smem:$0x3F7E];
	s0 =	simm.s32 @p1 $0x1  }
0x15: {  	[smem:$0x3F9B] =	sst s0;
	s0 =	simm.s32 @!p2 $0x0  }
0x16: {  	s3 =	sld [smem:$0x3FDB];
	s0 =	simm.s32 @p2 $0x1  }
0x17: {  	s4 =	simm.s32 $0x1BF5;
	[smem:$0x3F9D] =	sst s0  }
0x18: {  	s0 =	sld [smem:$0x3F80];
	_ =	swait.ge [sflag:s4], $0x0  }
0x19: {  	s7 =	sld [smem:$0x3F81]  }
0x1a: {  	s8 =	sadd.s32 $0xFFFFE003, lr  }
0x1b: {  	s9 =	sadd.s32 $0xFFFFFEF7, lr;
	s5 =	simm.s32 $0xFFFFFFFF;
	p2 =	slt.u32 s8, $0xFFFFF086  }
0x1c: {  	p1 =	slt.u32 s9, $0xF7A;
	s5 =	simm.s32 @!p2 $0x0  }
0x1d: {  	s5 =	simm.s32 @p1 $0x1;
	p0 =	seq.s32 s7, s2  }
0x1e: {  	s7 =	smul.u32 @!p0 $0xF7A, s2;
	p2 =	seq.s32 @!p0 s5, $0x0  }
0x1f: {  	s9 =	smul.u32 $0xF7A, s1;
	s8 =	simm.s32 @!p0 $0x1BF5;
	p2 =	por !p2, p0  }
0x20: {  	[sflag:s8] =	ssyncset.s32 @!p0 $0xFFFFF086;
	s6 =	sadd.s32 @!p0 s3, s7;
	s7 =	simm.s32 @!p0 $0x108  }
0x21: {  	s3 =	sadd.s32 s3, s9;
	s6 =	sadd.s32 @!p0 $0x88, s6;
	s7 =	simm.s32 @p2 $0x1082  }
0x22: {  	[simem:s7], [sflag:s8] =	dma.local @!p0 [hbm:s6], $0xF7A  }
0x23: {  	s9 =	sor.u32 $0xD0000000, s2;
	s6 =	simm.s32 $0x108;
	_ =	swait.ge @!p0 [sflag:s8], $0x0  }
0x24: {  	s3 =	sadd.s32 $0x88, s3;
	s6 =	simm.s32 @!p1 $0x1082;
	[sflag:s4] =	ssyncset.s32 $0xFFFFF086  }
0x25: {  	[simem:s6], [sflag:s4] =	dma.local [hbm:s3], $0xF7A  }
0x26: {  	[smem:$0x3F81] =	sst s1;
	(tag) =	ssettag s2;
	_ =	strace s9  }
0x27: {  	s1 =	sld [smem:$0x3F91]  }
0x28: {  	s2 =	sld [smem:$0x3F92]  }
0x29: {  	s4 =	sld [smem:$0x3F94]  }
0x2a: {  	p0 =	seq.s32 s5, $0x0;
	s5 =	sld [smem:$0x3F95]  }
0x2b: {  	s6 =	sld [smem:$0x3F96]  }
0x2c: {  	s7 =	sld [smem:$0x3F97]  }
0x2d: {  	s3 =	simm.s32 $0x108;
	s8 =	sld [smem:$0x3F98]  }
0x2e: {  	s3 =	simm.s32 @!p0 $0x1082;
	s9 =	sld [smem:$0x3F99]  }
0x2f: {  	lr =	sadd.s32 s0, s3;
	s0 =	sld [smem:$0x3F90]  }
0x30: {  	s3 =	sld [smem:$0x3F93]  }
0x31: {  	[smem:$0x3F9C] =	sst s10  }
0x32: {  	s10 =	sld [smem:$0x3F9A];
	_ =	sdelay $0x3  }
0x33: {  	p0 =	seq.s32 s10, $0x1;
	s10 =	sld [smem:$0x3F9C];
	_ =	sdelay $0x3  }
0x34: {  	[smem:$0x3F9C] =	sst s10  }
0x35: {  	s10 =	sld [smem:$0x3F9B];
	_ =	sdelay $0x3  }
0x36: {  	p1 =	seq.s32 s10, $0x1;
	s10 =	sld [smem:$0x3F9C];
	_ =	sdelay $0x3  }
0x37: {  	[smem:$0x3F9C] =	sst s10  }
0x38: {  	s10 =	sld [smem:$0x3F9D]  }
0x39: {  	_ = 	snop;
	(pc) =	sbr.ind lr, $3  }
0x3a: {  	_ = 	snop  }
0x3b: {  	_ = 	snop  }
0x3c: {  	p2 =	seq.s32 s10, $0x1;
	s10 =	sld [smem:$0x3F9C]  }
0x3d: {  	_ =	shalt  }
0x3e: {  	_ =	shalt  }
0x3f: {  	_ =	shalt  }
0x40: {  	_ =	shalt  }
0x41: {  	_ =	shalt  }
0x42: {  	_ =	shalt  }
0x43: {  	_ =	shalt  }
0x44: {  	_ =	shalt  }
0x45: {  	_ =	shalt  }
0x46: {  	_ =	shalt  }
0x47: {  	_ =	shalt  }
0x48: {  	_ =	shalt  }
0x49: {  	_ =	shalt  }
0x4a: {  	_ =	shalt  }
0x4b: {  	_ =	shalt  }
0x4c: {  	_ =	shalt  }
0x4d: {  	_ =	shalt  }
0x4e: {  	_ =	shalt  }
0x4f: {  	_ =	shalt  }
0x50: {  	_ =	shalt  }
0x51: {  	_ =	shalt  }
0x52: {  	_ =	shalt  }
0x53: {  	_ =	shalt  }
0x54: {  	_ =	shalt  }
0x55: {  	_ =	shalt  }
0x56: {  	_ =	shalt  }
0x57: {  	_ =	shalt  }
0x58: {  	_ =	shalt  }
0x59: {  	_ =	shalt  }
0x5a: {  	_ =	shalt  }
0x5b: {  	_ =	shalt  }
0x5c: {  	_ =	shalt  }
0x5d: {  	_ =	shalt  }
0x5e: {  	_ =	shalt  }
0x5f: {  	_ =	shalt  }
0x60: {  	_ =	shalt  }
0x61: {  	_ =	shalt  }
0x62: {  	_ =	shalt  }
0x63: {  	_ =	shalt  }
0x64: {  	_ =	shalt  }
0x65: {  	_ =	shalt  }
0x66: {  	_ =	shalt  }
0x67: {  	_ =	shalt  }
0x68: {  	_ =	shalt  }
0x69: {  	_ =	shalt  }
0x6a: {  	_ =	shalt  }
0x6b: {  	_ =	shalt  }
0x6c: {  	_ =	shalt  }
0x6d: {  	_ =	shalt  }
0x6e: {  	_ =	shalt  }
0x6f: {  	_ =	shalt  }
0x70: {  	_ =	shalt  }
0x71: {  	_ =	shalt  }
0x72: {  	_ =	shalt  }
0x73: {  	_ =	shalt  }
0x74: {  	_ =	shalt  }
0x75: {  	_ =	shalt  }
0x76: {  	_ =	shalt  }
0x77: {  	_ =	shalt  }
0x78: {  	_ =	shalt  }
0x79: {  	_ =	shalt  }
0x7a: {  	_ =	shalt  }
0x7b: {  	_ =	shalt  }
0x7c: {  	_ =	shalt  }
0x7d: {  	_ =	shalt  }
0x7e: {  	_ =	shalt  }
0x7f: {  	_ =	shalt  }
0x80: {  	_ =	shalt  }
0x81: {  	_ =	shalt  }
0x82: {  	_ =	shalt  }
0x83: {  	_ =	shalt  }
0x84: {  	_ =	shalt  }
0x85: {  	_ =	shalt  }
0x86: {  	_ =	shalt  }
0x87: {  	_ =	shalt  }
.Lfunc_end0:
.L_simem_size_0:
called_computation_lowered:
.L_overlay_start_0:
0x88: {  	s2 =	sld [smem:$0x3FD9]  }
0x89: {  	s3 =	sld [smem:$0x3FFE];
	_ =	sdelay $0x1  }
0x8a: {  	s1 =	srdreg.scid  }
0x8b: {  	s0 =	sand.u32 $0x1, s1  }
0x8c: {  	s17 =	sshll.u32 s0, $0xA;
	s2 =	sadd.s32 s3, s2  }
0x8d: {  	s2 =	sadd.s32 s2, s17  }
0x8e: {  	[smem:$0x3FA8] =	sst s2  }
0x8f: {  	_ = 	snop  }
0x90: {  	s2 =	sld [smem:$0x3FD0];
	(tm) =	ssettm $0x1  }
0x91: {  	s18 =	sld [smem:$0x3FFB];
	_ =	sdelay $0x3  }
0x92: {  	_ =	strace s18  }
0x93: {  	s3 =	sld [smem:$0x3FFC];
	_ =	sdelay $0x3  }
0x94: {  	_ =	strace s3  }
0x95: {  	s3 =	sld [smem:$0x3FFD];
	_ =	sdelay $0x3  }
0x96: {  	_ =	strace s3  }
0x97: {  	_ =	strace $0x8FFFFFFF  }
0x98: {  	s19 =	sld [smem:$0x3FDB];
	_ =	sdelay $0x1  }
0x99: {  	s4 =	simm.s32 $_scs_section_size  }
0x9a: {  	s5 =	simm.s32 $_size__tile_overlayer_lowered;
	s6 =	simm.s32 $_tile_overlayer_lowered  }
0x9b: {  	s22 =	simm.s32 $0x1BFF;
	s21 =	sshll.u32 s6, $0x1;
	s3 =	sadd.s32 s4, s19  }
0x9c: {  	s7 =	simm.s32 $0x0;
	s20 =	sshll.u32 s5, $0x1;
	s5 =	sadd.s32 s21, s3  }
0x9d: {  	[timem:s7], [sflag:s22] =	dma.local [hbm:s5], s20  }
0x9e: {  	_ =	swait.ge [sflag:s22], s20  }
0x9f: {  	s4 =	ssub.s32 $0x0, s20;
	[sflag:s22] =	ssyncset.done $0x0  }
0xa0: {  	[sflag:s22] =	ssyncadd.s32 s4;
	_ =	sdelay $0x1  }
0xa1: {  	s23 =	simm.s32 $0x1B8B  }
0xa2: {  	_ =	swait.ge [sflag:s23], $0x1  }
0xa3: {  	[sflag:s23] =	ssyncset.done $0x0  }
0xa4: {  	s25 =	simm.s32 $0x1B8E;
	s24 =	sld [smem:$0x3FFE];
	[sflag:s23] =	ssyncadd.s32 $0xFFFFFFFF  }
0xa5: {  	s26 =	simm.s32 $execute0_lowered;
	[smem:$0x3FD2] =	sst s25  }
0xa6: {  	s5 =	sshll.u32 s26, $0x1;
	_ =	strace $0x80000046;
	[dreg:$0x1] =	wrdreg $0xFFFFFFFF  }
0xa7: {  	s28 =	simm.s32 $_size_execute0_lowered;
	s3 =	sadd.s32 s3, s5;
	[dreg:$0x0] =	wrdreg $0x0  }
0xa8: {  	s5 =	sshll.u32 s28, $0x1;
	[dreg:$0x2] =	wrdreg s3  }
0xa9: {  	[dreg:$0x3] =	wrdreg s5  }
0xaa: {  	[dreg:$0x4] =	wrdreg $0xC0  }
0xab: {  	_ =	task [dreg:s7], $0x5FFFF  }
0xac: {  	[dreg:$0x1] =	wrdreg $0xFFFFFFFF  }
0xad: {  	[dreg:$0x0] =	wrdreg $0x60  }
0xae: {  	[dreg:$0x2] =	wrdreg s24  }
0xaf: {  	[dreg:$0x3] =	wrdreg s2  }
0xb0: {  	[dreg:$0x4] =	wrdreg $0x9  }
0xb1: {  	_ =	task.clear_ibuf [dreg:s7], $0x5FFFF;
	_ =	strace $0x90000046  }
0xb2: {  	s29 =	simm.s32 $0x9;
	_ =	strace $0x80000048  }
0xb3: {  	_ =	swait.ge [sflag:s29], $0x1  }
0xb4: {  	[sflag:s29] =	ssyncadd.s32 $0xFFFFFFFF  }
0xb5: {  	_ =	strace $0x90000048  }
0xb6: {  	_ =	sfence  }
0xb7: {  	s30 =	sld [smem:$0x0];
	_ =	sdelay $0x2  }
0xb8: {  	s31 =	sshll.u32 s1, $0xD;
	s1 =	sshrl.u32 s1, $0x2  }
0xb9: {  	s3 =	sand.u32 $0x4000, s31;
	s1 =	sadd.s32 s1, s30  }
0xba: {  	s0 =	sor.u32 s3, s0;
	s1 =	sshll.u32 s1, $0x11  }
0xbb: {  	s0 =	sor.u32 s1, s0  }
0xbc: {  	s0 =	sadd.s32 $0x8F2B, s0  }
0xbd: {  	[sflag:s0] =	ssyncadd.remote.s32 $0x1  }
0xbe: {  	_ =	sfence.sel $0xFFFF  }
0xbf: {  	[dreg:$0x0] =	wrdreg $0xFFFFFFFF;
	(pc) =	sbr.abs _section_cstart, $3  }
0xc0: {  	[dreg:$0x1] =	wrdreg $0xFFFFFFFF  }
0xc1: {  	_ =	task.clear_ibuf [dreg:s7], $0x2FFFF;
	_ =	strace $0x9FFFFFFF  }
0xc2: {  	(tm) =	ssettm $0x7FFFFFFF  }
0xc3: {  	_ =	shalt  }
tec
execute0_lowered:
.L_overlay_start_1:
0x0: {  	(tag) =	ssettag $0x1  }
0x1: {  	s1 =	srdreg.scid  }
0x2: {  	s0 =	stileid.u32;
	s4 =	rddreg [dreg:$0x0]  }
0x3: {  	s2 =	rddreg [dreg:$0x1];
	s3 =	simm.s32 $0x0;
	s14 =	simm.s32 $0x1  }
0x4: {  	s15 =	simm.s32 $0x2;
	s16 =	simm.s32 $0x3;
	s17 =	simm.s32 $0x4  }
0x5: {  	s18 =	simm.s32 $0x5;
	s19 =	simm.s32 $0x0;
	s5 =	sand.u32 $0x1, s1  }
0x6: {  	s26 =	sshll.u32 s0, $0x1;
	[smem:$0x7FF] =	sst s3;
	s9 =	smul.u32 $0x1900, s0  }
0x7: {  	s12 =	sadd.s32 $0x4400, s4;
	s28 =	smul.u32 $0x32, s0;
	s13 =	sadd.s32 $0x9400, s4  }
0x8: {  	s1 =	sor.u32 s5, s26;
	s8 =	ssub.s32 $0x2, s5;
	s11 =	smul.u32 $0xC80, s5  }
0x9: {  	s29 =	smul.u32 $0x19, s5;
	s6 =	sor.u32 $0x300, s1;
	s1 =	rddreg [dreg:$0x2]  }
0xa: {  	_ =	strace $0x80000047;
	s10 =	sshrl.u32 s8, $0x1;
	s30 =	sadd.s32 s9, s13  }
0xb: {  	s31 =	sadd.s32 s28, s12;
	s9 =	simm.s32 $0x6;
	s7 =	smul.u32 $0x19, s6  }
0xc: {  	s6 =	smul.u32 $0xC80, s6;
	s8 =	ssub.s32 s8, s10;
	s10 =	simm.s32 $0xC8  }
0xd: {  	s4 =	smax.u32 s8, $0x1;
	s8 =	sadd.s32 s29, s31;
	s5 =	sadd.s32 s12, s7  }
0xe: {  	s6 =	sadd.s32 s13, s6;
	s7 =	sadd.s32 s11, s30;
	s8 =	sadd.s32 $0x320, s8  }
0xf: {  	s11 =	simm.s32 $0x200;
	s12 =	simm.s32 $0x100;
	s13 =	simm.s32 $0x6600  }
.LBB2_1:
0x10: {  	s20 =	sadd.s32 $0xFFFFFCE0, s8  }
0x11: {  	[tilespmem:s3], [sflag:$0x6] =	stream.linear.gather [hbm4b:s20+s3], $0xC8, $0x38;
	[tilespmem:$0xCA00] =	vst v63  }
0x12: {  	_ =	swait.ge [sflag:s9], $0xC8  }
0x13: {  	[sflag:s9] =	ssyncset.done $0x0  }
0x14: {  	[sflag:s9] =	ssyncadd.s32 $0xFFFFFF38  }
0x15: {  	[tilespmem:s11], [sflag:$0x1] =	stream.indirect.gather [hbm4b:s2+s10], $0x80, s3, s10, $0xb8;
	[tilespmem:$0xCA00] =	vst v63  }
0x16: {  	_ = 	snop  }
0x17: {  	[tilespmem:s12], [sflag:$0x6] =	stream.linear.gather [hbm4b:s8+s3], $0xC8, $0x38;
	[tilespmem:$0xCA00] =	vst v63  }
0x18: {  	_ =	swait.ge [sflag:s9], $0xC8  }
0x19: {  	[sflag:s9] =	ssyncset.done $0x0  }
0x1a: {  	[sflag:s9] =	ssyncadd.s32 $0xFFFFFF38  }
0x1b: {  	[tilespmem:s13], [sflag:$0x2] =	stream.indirect.gather [hbm4b:s2+s10], $0x80, s12, s10, $0xb8;
	[tilespmem:$0xCA00] =	vst v63  }
0x1c: {  	_ =	swait.ge [sflag:s14], $0x6400  }
0x1d: {  	[sflag:s14] =	ssyncset.done $0x0  }
0x1e: {  	s31 =	sadd.s32 $0x0, s7;
	[sflag:s14] =	ssyncadd.s32 $0xFFFF9C00  }
0x1f: {  	[hbm4b:s31+s3] =	stream.linear.scatter [tilespmem:s11], [sflag:$0x3], $0x6400, $0x38;
	[tilespmem:$0xCA00] =	vst v63  }
0x20: {  	_ =	swait.ge [sflag:s15], $0x6400  }
0x21: {  	[sflag:s15] =	ssyncset.done $0x0  }
0x22: {  	s20 =	sadd.s32 $0x19000, s31;
	[sflag:s15] =	ssyncadd.s32 $0xFFFF9C00  }
0x23: {  	[hbm4b:s20+s3] =	stream.linear.scatter [tilespmem:s13], [sflag:$0x4], $0x6400, $0x38;
	[tilespmem:$0xCA00] =	vst v63  }
0x24: {  	_ =	swait.ge [sflag:s16], $0x6400  }
0x25: {  	[sflag:s16] =	ssyncset.done $0x0  }
0x26: {  	[sflag:s16] =	ssyncadd.s32 $0xFFFF9C00  }
0x27: {  	s22 =	simm.s32 $0x64000;
	_ =	swait.ge [sflag:s17], $0x6400  }
0x28: {  	s21 =	sadd.s32 $0x640, s8;
	s20 =	simm.s32 $0x32000;
	[sflag:s17] =	ssyncset.done $0x0  }
.LBB2_2:
0x29: {  	p0 =	sne.s32 s22, $0x226000;
	s23 =	sadd.s32 $0xFFFFFCE0, s21;
	[sflag:s17] =	ssyncadd.s32 $0xFFFF9C00  }
0x2a: {  	[tilespmem:s3], [sflag:$0x6] =	stream.linear.gather [hbm4b:s23+s3], $0xC8, $0x38;
	[tilespmem:$0xCA00] =	vst v63  }
0x2b: {  	s23 =	smov.u32 s22;
	s22 =	sadd.s32 $0x32000, s22;
	_ =	swait.ge [sflag:s9], $0xC8  }
0x2c: {  	[sflag:s9] =	ssyncset.done $0x0  }
0x2d: {  	[sflag:s9] =	ssyncadd.s32 $0xFFFFFF38  }
0x2e: {  	[tilespmem:s11], [sflag:$0x1] =	stream.indirect.gather [hbm4b:s2+s10], $0x80, s3, s10, $0xb8;
	[tilespmem:$0xCA00] =	vst v63  }
0x2f: {  	_ = 	snop  }
0x30: {  	[tilespmem:s12], [sflag:$0x6] =	stream.linear.gather [hbm4b:s21+s3], $0xC8, $0x38;
	[tilespmem:$0xCA00] =	vst v63  }
0x31: {  	_ =	swait.ge [sflag:s9], $0xC8  }
0x32: {  	[sflag:s9] =	ssyncset.done $0x0  }
0x33: {  	[sflag:s9] =	ssyncadd.s32 $0xFFFFFF38  }
0x34: {  	[tilespmem:s13], [sflag:$0x2] =	stream.indirect.gather [hbm4b:s2+s10], $0x80, s12, s10, $0xb8;
	[tilespmem:$0xCA00] =	vst v63  }
0x35: {  	_ =	swait.ge [sflag:s14], $0x6400  }
0x36: {  	[sflag:s14] =	ssyncset.done $0x0  }
0x37: {  	s24 =	sadd.s32 s20, s7;
	s20 =	smov.u32 s23;
	[sflag:s14] =	ssyncadd.s32 $0xFFFF9C00  }
0x38: {  	[hbm4b:s24+s3] =	stream.linear.scatter [tilespmem:s11], [sflag:$0x3], $0x6400, $0x38;
	[tilespmem:$0xCA00] =	vst v63  }
0x39: {  	_ =	swait.ge [sflag:s15], $0x6400  }
0x3a: {  	[sflag:s15] =	ssyncset.done $0x0  }
0x3b: {  	s23 =	sadd.s32 $0x19000, s24;
	[sflag:s15] =	ssyncadd.s32 $0xFFFF9C00  }
0x3c: {  	[hbm4b:s23+s3] =	stream.linear.scatter [tilespmem:s13], [sflag:$0x4], $0x6400, $0x38;
	[tilespmem:$0xCA00] =	vst v63  }
.Ltmp0:
0x3d: {  	_ =	swait.ge [sflag:s16], $0x6400;
	(pc) =	sbr.rel @p0 .LBB2_2-.Ltmp0, $4  }
0x3e: {  	[sflag:s16] =	ssyncset.done $0x0  }
0x3f: {  	[sflag:s16] =	ssyncadd.s32 $0xFFFF9C00  }
0x40: {  	_ =	swait.ge [sflag:s17], $0x6400  }
0x41: {  	s21 =	sadd.s32 $0x640, s21;
	[sflag:s17] =	ssyncset.done $0x0  }
0x42: {  	s22 =	sadd.s32 $0xFFFFFCE0, s21;
	[sflag:s17] =	ssyncadd.s32 $0xFFFF9C00  }
0x43: {  	[tilespmem:s3], [sflag:$0x6] =	stream.linear.gather [hbm4b:s22+s3], $0xC8, $0x38;
	[tilespmem:$0xCA00] =	vst v63  }
0x44: {  	_ =	swait.ge [sflag:s9], $0xC8  }
0x45: {  	[sflag:s9] =	ssyncset.done $0x0  }
0x46: {  	[sflag:s9] =	ssyncadd.s32 $0xFFFFFF38  }
0x47: {  	[tilespmem:s11], [sflag:$0x1] =	stream.indirect.gather [hbm4b:s2+s10], $0x80, s3, s10, $0xb8;
	[tilespmem:$0xCA00] =	vst v63  }
0x48: {  	_ = 	snop  }
0x49: {  	[tilespmem:s12], [sflag:$0x6] =	stream.linear.gather [hbm4b:s21+s3], $0xC8, $0x38;
	[tilespmem:$0xCA00] =	vst v63  }
0x4a: {  	_ =	swait.ge [sflag:s9], $0xC8  }
0x4b: {  	[sflag:s9] =	ssyncset.done $0x0  }
0x4c: {  	[sflag:s9] =	ssyncadd.s32 $0xFFFFFF38  }
0x4d: {  	[tilespmem:s13], [sflag:$0x2] =	stream.indirect.gather [hbm4b:s2+s10], $0x80, s12, s10, $0xb8;
	[tilespmem:$0xCA00] =	vst v63  }
0x4e: {  	_ =	swait.ge [sflag:s14], $0x6400  }
0x4f: {  	[sflag:s14] =	ssyncset.done $0x0  }
0x50: {  	s20 =	sadd.s32 s20, s7;
	[sflag:s14] =	ssyncadd.s32 $0xFFFF9C00  }
0x51: {  	[hbm4b:s20+s3] =	stream.linear.scatter [tilespmem:s11], [sflag:$0x3], $0x6400, $0x38;
	[tilespmem:$0xCA00] =	vst v63  }
0x52: {  	_ =	swait.ge [sflag:s15], $0x6400  }
0x53: {  	[sflag:s15] =	ssyncset.done $0x0  }
0x54: {  	s20 =	sadd.s32 $0x19000, s20;
	[sflag:s15] =	ssyncadd.s32 $0xFFFF9C00  }
0x55: {  	[hbm4b:s20+s3] =	stream.linear.scatter [tilespmem:s13], [sflag:$0x4], $0x6400, $0x38;
	[tilespmem:$0xCA00] =	vst v63  }
0x56: {  	_ =	swait.ge [sflag:s16], $0x6400  }
0x57: {  	[sflag:s16] =	ssyncset.done $0x0  }
0x58: {  	[sflag:s16] =	ssyncadd.s32 $0xFFFF9C00  }
0x59: {  	_ =	swait.ge [sflag:s17], $0x6400  }
0x5a: {  	[sflag:s17] =	ssyncset.done $0x0  }
0x5b: {  	[sflag:s17] =	ssyncadd.s32 $0xFFFF9C00  }
0x5c: {  	[tilespmem:s3], [sflag:$0x6] =	stream.linear.gather [hbm4b:s5+s3], $0xC8, $0x38;
	[tilespmem:$0xCA00] =	vst v63  }
0x5d: {  	_ =	swait.ge [sflag:s9], $0xC8  }
0x5e: {  	[sflag:s9] =	ssyncset.done $0x0  }
0x5f: {  	[sflag:s9] =	ssyncadd.s32 $0xFFFFFF38  }
0x60: {  	[tilespmem:s11], [sflag:$0x1] =	stream.indirect.gather [hbm4b:s2+s10], $0x80, s3, s10, $0xb8;
	[tilespmem:$0xCA00] =	vst v63  }
0x61: {  	s19 =	sadd.s32 $0x1, s19;
	_ =	swait.ge [sflag:s14], $0x6400  }
0x62: {  	p0 =	sne.s32 s19, s4;
	[sflag:s14] =	ssyncset.done $0x0  }
.Ltmp1:
0x63: {  	[sflag:s14] =	ssyncadd.s32 $0xFFFF9C00;
	(pc) =	sbr.rel @p0 .LBB2_1-.Ltmp1, $4  }
0x64: {  	[hbm4b:s6+s3] =	stream.linear.scatter [tilespmem:s11], [sflag:$0x5], $0x6400, $0x38;
	[tilespmem:$0xCA00] =	vst v63  }
0x65: {  	_ =	swait.ge [sflag:s18], $0x6400  }
0x66: {  	[sflag:s18] =	ssyncset.done $0x0  }
0x67: {  	[sflag:s18] =	ssyncadd.s32 $0xFFFF9C00  }
0x68: {  	_ =	sfence.sel $0x180000  }
0x69: {  	[bflag:$0x0] =	sbarrier.arrive $0xFFFF  }
0x6a: {  	p0 =	sne.s32 s0, $0x0;
	_ =	strace $0x90000047  }
0x6b: {  	s0 =	sadd.s32 @!p0 $0x100000, s1;
	[bflag:$0x2] =	sbarrier.arrive $0xFFFF  }
0x6c: {  	[sflag:s0] =	ssyncadd.tile.s32 @!p0 $0x1;
	_ =	shalt  }
.Lfunc_end2:
_tile_overlayer_lowered:
.L_overlay_start_2:
0x6d: {  	(tag) =	ssettag $0x2  }
0x6e: {  	s0 =	rddreg [dreg:$0x0];
	s2 =	stileid.u32  }
0x6f: {  	s1 =	rddreg [dreg:$0x1];
	p0 =	sne.s32 s2, $0x0  }
0x70: {  	s3 =	rddreg [dreg:$0x2];
	[bflag:$0x3] =	sbarrier.arrive $0xFFFF;
	s2 =	simm.s32 @!p0 $0x1C05  }
0x71: {  	[timem:s3], [sflag:s2] =	dma.local @!p0 [hbm:s0], s1  }
0x72: {  	s0 =	simm.s32 @!p0 $0x5  }
0x73: {  	_ =	swait.ge @!p0 [sflag:s0], s1  }
0x74: {  	s1 =	ssub.s32 @!p0 $0x0, s1;
	[sflag:s0] =	ssyncset.done @!p0 $0x0  }
0x75: {  	[sflag:s0] =	ssyncadd.s32 @!p0 s1  }
0x76: {  	[bflag:$0x3] =	sbarrier.arrive $0xFFFF  }
0x77: {  	_ =	shalt  }

</sc_bundles>
